<compile_context>
chip_gen: v7x
topology: tpu7x:2x2x1
jax: 0.10.2.dev20260603
libtpu: 0.0.44.dev20260713+nightly
codegen_flags: <defaults>
</compile_context>

<pallas_src>
import functools

import jax
import jax.numpy as jnp
from jax import lax
from jax.experimental import pallas as pl
from jax.experimental.pallas import tpu as pltpu
from jax.experimental.pallas import tpu_sc as plsc

_EPS = 1e-10

_NC, _NS = 2, 16
_NW = _NC * _NS
_SLOTS = 2


def _mlp_t(xt, W1, b1, W2, b2):
    h = jax.nn.relu(
        jax.lax.dot_general(W1, xt, (((0,), (0,)), ((), ())),
                            preferred_element_type=jnp.float32) + b1)
    return jax.nn.relu(
        jax.lax.dot_general(W2, h, (((0,), (0,)), ((), ())),
                            preferred_element_type=jnp.float32) + b2)


def _micro_body(xt_ref, w1n, b1n, w2n, b2n, w1s, b1s, w2s, b2s,
                x1t_ref, xsc_ref):
    xt = xt_ref[0]
    x1t_ref[0] = _mlp_t(xt, w1n[...], b1n[...], w2n[...], b2n[...])
    xs_t = _mlp_t(xt, w1s[...], b1s[...], w2s[...], b2s[...])
    xsc_ref[0] = jnp.transpose(xs_t, (1, 0))


def _make_sc_kernel(b, n, f):
    rows = b * n
    rpw = rows // _NW
    ch = n // 16
    f32 = jnp.float32

    @functools.partial(
        pl.kernel,
        out_type=[jax.ShapeDtypeStruct((rows, f, n), f32),
                  jax.ShapeDtypeStruct((rows, (f + 1) * 16), f32)],
        mesh=plsc.VectorSubcoreMesh(core_axis_name="c", subcore_axis_name="s"),
        scratch_types=[
            pltpu.VMEM((_SLOTS, f, n), f32),
            pltpu.VMEM((_SLOTS, n), f32),
            pltpu.VMEM((f, n), f32),
            pltpu.VMEM((rpw, (f + 1) * 16), f32),
            pltpu.SemaphoreType.DMA((_SLOTS,)),
            pltpu.SemaphoreType.DMA((_SLOTS,)),
            pltpu.SemaphoreType.DMA((_SLOTS,)),
        ],
    )
    def sc_kernel(a_hbm, w_hbm, x1_hbm, wout_hbm, part_hbm,
                  wbuf, abuf, x1buf, partbuf,
                  wsem, asem, osem):
        wid = lax.axis_index("s") * _NC + lax.axis_index("c")
        row0 = wid * rpw
        bi = row0 // n
        pltpu.sync_copy(x1_hbm.at[bi], x1buf)

        def win(r, slot):
            return pltpu.make_async_copy(w_hbm.at[r], wbuf.at[slot],
                                         wsem.at[slot])

        def ain(r, slot):
            return pltpu.make_async_copy(a_hbm.at[r], abuf.at[slot],
                                         asem.at[slot])

        def wout(r, slot):
            return pltpu.make_async_copy(wbuf.at[slot], wout_hbm.at[r],
                                         osem.at[slot])

        for k in range(_SLOTS):
            win(row0 + k, k).start()
            ain(row0 + k, k).start()

        def process(r, rl, slot):
            win(r, slot).wait()
            ain(r, slot).wait()

            def chunk(cix, accs):
                off = cix * 16
                av = abuf[slot, pl.ds(off, 16)]
                new = [accs[0] + av]
                for ff in range(f):
                    wv = wbuf[slot, ff, pl.ds(off, 16)]
                    xv = x1buf[ff, pl.ds(off, 16)]
                    new.append(accs[ff + 1] + av * wv * xv)
                return tuple(new)

            zero = jnp.zeros((16,), f32)
            accs = lax.fori_loop(0, ch, chunk, (zero,) * (f + 1))
            for ff in range(f):
                partbuf[rl, pl.ds(ff * 16, 16)] = accs[ff + 1]
            partbuf[rl, pl.ds(f * 16, 16)] = accs[0]
            wout(r, slot).start()

        n_iter = rpw // _SLOTS

        def outer(it, carry):
            base = row0 + it * _SLOTS
            for k in range(_SLOTS):
                process(base + k, it * _SLOTS + k, k)

            @pl.when(it + 1 < n_iter)
            def _():
                for k in range(_SLOTS):
                    wout(base + k, k).wait()
                    win(base + _SLOTS + k, k).start()
                    ain(base + _SLOTS + k, k).start()

            return carry

        lax.fori_loop(0, n_iter, outer, 0)
        for k in range(_SLOTS):
            wout(row0 + rpw - _SLOTS + k, k).wait()
        pltpu.sync_copy(partbuf, part_hbm.at[pl.ds(row0, rpw)])

    return sc_kernel


def _post_body(p_ref, xs_ref, x2_ref, *, f):
    p = p_ref[...]
    k = p.shape[1]
    sel = (jax.lax.broadcasted_iota(jnp.int32, (k, f + 1), 0) // 16
           == jax.lax.broadcasted_iota(jnp.int32, (k, f + 1), 1)).astype(
               jnp.float32)
    m = jax.lax.dot_general(p, sel, (((1,), (0,)), ((), ())),
                            preferred_element_type=jnp.float32)
    x2_ref[...] = m[:, :f] / (m[:, f:f + 1] + _EPS) + xs_ref[...]


def kernel(A, W, x, W1_n, b1_n, W2_n, b2_n, W1_s, b1_s, W2_s, b2_s):
    b, n, _, f = W.shape

    Wt = jnp.transpose(W, (0, 1, 3, 2))
    xt = jnp.transpose(x, (0, 2, 1))

    b1n = b1_n.reshape(f, 1)
    b2n = b2_n.reshape(f, 1)
    b1s = b1_s.reshape(f, 1)
    b2s = b2_s.reshape(f, 1)

    small = lambda bi: (0, 0)
    x1t_arr, xsc = pl.pallas_call(
        _micro_body,
        grid=(b,),
        in_specs=[
            pl.BlockSpec((1, f, n), lambda bi: (bi, 0, 0)),
            pl.BlockSpec((f, f), small),
            pl.BlockSpec((f, 1), small),
            pl.BlockSpec((f, f), small),
            pl.BlockSpec((f, 1), small),
            pl.BlockSpec((f, f), small),
            pl.BlockSpec((f, 1), small),
            pl.BlockSpec((f, f), small),
            pl.BlockSpec((f, 1), small),
        ],
        out_specs=[
            pl.BlockSpec((1, f, n), lambda bi: (bi, 0, 0)),
            pl.BlockSpec((1, n, f), lambda bi: (bi, 0, 0)),
        ],
        out_shape=[
            jax.ShapeDtypeStruct((b, f, n), jnp.float32),
            jax.ShapeDtypeStruct((b, n, f), jnp.float32),
        ],
    )(xt, W1_n, b1n, W2_n, b2n, W1_s, b1s, W2_s, b2s)

    a_flat = A.reshape(b * n, n)
    w_flat = Wt.reshape(b * n, f, n)
    xs_flat = xsc.reshape(b * n, f)

    wout_flat, part = _make_sc_kernel(b, n, f)(a_flat, w_flat, x1t_arr)

    rows = b * n
    bi2 = 256
    part2 = part
    x2_flat = pl.pallas_call(
        functools.partial(_post_body, f=f),
        grid=(rows // bi2,),
        in_specs=[
            pl.BlockSpec((bi2, (f + 1) * 16), lambda i: (i, 0)),
            pl.BlockSpec((bi2, f), lambda i: (i, 0)),
        ],
        out_specs=pl.BlockSpec((bi2, f), lambda i: (i, 0)),
        out_shape=jax.ShapeDtypeStruct((rows, f), jnp.float32),
    )(part2, xs_flat)

    w_out = jnp.transpose(wout_flat.reshape(b, n, f, n), (0, 1, 3, 2))
    x2 = x2_flat.reshape(b, n, f)
    return (w_out, x2)

# --- scband reference (transcript-rebuilt; emitter-appended) ---
"""Pipeline reference for scband-hyper-gnnlayer-42502996361358 (READ-ONLY COPY).

The authoritative reference and input builder live on the scoring server;
editing this copy changes nothing except your own understanding.
"""

import jax, jax.numpy as jnp
import numpy as np


def _mlp(x, W1, b1, W2, b2):
    h = jax.nn.relu(x @ W1 + b1)
    return jax.nn.relu(h @ W2 + b2)


def setup_inputs(seed: int = 0) -> dict:
    key = jax.random.key(seed)
    ks = jax.random.split(key, 12)
    b, n, f = 2, 1024, 16
    A = jax.random.uniform(ks[0], (b, n, n), dtype=jnp.float32)
    W = jax.random.normal(ks[1], (b, n, n, f), dtype=jnp.float32)
    x = jax.random.normal(ks[2], (b, n, f), dtype=jnp.float32)
    s = 1.0 / np.sqrt(f)
    names = ["W1_n", "b1_n", "W2_n", "b2_n", "W1_s", "b1_s", "W2_s", "b2_s"]
    shapes = [(f, f), (f,), (f, f), (f,), (f, f), (f,), (f, f), (f,)]
    params = {}
    for i, (nm, sh) in enumerate(zip(names, shapes)):
        params[nm] = jax.random.uniform(ks[3 + i], sh, dtype=jnp.float32, minval=-s, maxval=s)
    out = {"A": A, "W": W, "x": x}
    out.update(params)
    return out


def reference(A, W, x, W1_n, b1_n, W2_n, b2_n, W1_s, b1_s, W2_s, b2_s):
    # HyperGNNLayer.forward, dense path, order=2, norm=True, no sk channel.
    eps = 1e-10
    A_sum = jnp.sum(A, axis=2, keepdims=True) + eps
    An = A / A_sum
    # n_func_2(x)
    x1 = _mlp(x, W1_n, b1_n, W2_n, b2_n)
    # x_new = (A.unsqueeze(-1) * W) then contract with x1 over source-node dim (-2)
    x_new = An[..., None] * W  # [b, n, n, f]
    x_new = jnp.sum(x_new * x1[:, None, :, :], axis=-2)  # [b, n, f]
    # x2 = message + n_self_func(x)
    x2 = x_new + _mlp(x, W1_s, b1_s, W2_s, b2_s)
    # module returns (W_new list, x_new); dense path passes W through unchanged
    return (W, x2)

if __name__ == "__main__":
    import jax
    _d = setup_inputs()
    print(jax.jit(kernel)(*tuple(_d.values())))

</pallas_src>

<mosaic_0001>
#map = affine_map<(d0, d1) -> (0, 0)>
#map1 = affine_map<(d0, d1) -> (0, 0, 0)>
module attributes {stable_mosaic.version = 14 : i64} {
  func.func @sc_kernel(%arg0: i32, %arg1: i32, %arg2: memref<2048x1024xf32, #tpu.memory_space<hbm>>, %arg3: memref<2048x16x1024xf32, #tpu.memory_space<hbm>>, %arg4: memref<2x16x1024xf32, #tpu.memory_space<hbm>>, %arg5: memref<2048x16x1024xf32, #tpu.memory_space<hbm>>, %arg6: memref<2048x272xf32, #tpu.memory_space<hbm>>, %arg7: memref<2x16x1024xf32, #tpu.memory_space<vmem>>, %arg8: memref<2x1024xf32, #tpu.memory_space<vmem>>, %arg9: memref<16x1024xf32, #tpu.memory_space<vmem>>, %arg10: memref<64x272xf32, #tpu.memory_space<vmem>>, %arg11: memref<2x!tpu.dma_semaphore, #tpu.memory_space<semaphore_mem>>, %arg12: memref<2x!tpu.dma_semaphore, #tpu.memory_space<semaphore_mem>>, %arg13: memref<2x!tpu.dma_semaphore, #tpu.memory_space<semaphore_mem>>) attributes {dimension_semantics = [#tpu.dimension_semantics<core_parallel>, #tpu.dimension_semantics<subcore_parallel>], iteration_bounds = array<i64: 2, 16>, scalar_prefetch = 0 : i64, scratch_operands = 7 : i64, tpu.core_type = #tpu.core_type<sc_vector_subcore>, window_params = [{transform_indices = #map}, {transform_indices = #map1}, {transform_indices = #map1}, {transform_indices = #map1}, {transform_indices = #map}]} {
    %mul3A = arith.constant 2 : i32
    %mul3A_0 = arith.muli %arg1, %mul3A : i32
    %add3A = arith.addi %mul3A_0, %arg0 : i32
    %mul3A_1 = arith.constant 64 : i32
    %mul3A_2 = arith.muli %add3A, %mul3A_1 : i32
    %jit3A = arith.constant 1024 : i32
    %div3A = arith.divsi %mul3A_2, %jit3A : i32
    %sign3A = arith.constant 0 : i32
    %sign3A_3 = arith.cmpi sgt, %mul3A_2, %sign3A : i32
    %sign3A_4 = arith.extui %sign3A_3 : i1 to i32
    %sign3A_5 = arith.constant 0 : i32
    %sign3A_6 = arith.cmpi slt, %mul3A_2, %sign3A_5 : i32
    %sign3A_7 = arith.extui %sign3A_6 : i1 to i32
    %sign3A_8 = arith.subi %sign3A_4, %sign3A_7 : i32
    %sign3A_9 = arith.constant 0 : i32
    %sign3A_10 = arith.cmpi sgt, %jit3A, %sign3A_9 : i32
    %sign3A_11 = arith.extui %sign3A_10 : i1 to i32
    %sign3A_12 = arith.constant 0 : i32
    %sign3A_13 = arith.cmpi slt, %jit3A, %sign3A_12 : i32
    %sign3A_14 = arith.extui %sign3A_13 : i1 to i32
    %sign3A_15 = arith.subi %sign3A_11, %sign3A_14 : i32
    %ne3A = arith.cmpi ne, %sign3A_8, %sign3A_15 : i32
    %rem3A = arith.remsi %mul3A_2, %jit3A : i32
    %ne3A_16 = arith.constant 0 : i32
    %ne3A_17 = arith.cmpi ne, %rem3A, %ne3A_16 : i32
    %and3A = arith.andi %ne3A, %ne3A_17 : i1
    %sub3A = arith.constant 1 : i32
    %sub3A_18 = arith.subi %div3A, %sub3A : i32
    %select_n3A = arith.select %and3A, %sub3A_18, %div3A : i32
    "tpu.region"() ({
      %run_scoped3A = tpu.sem_alloc : memref<!tpu.dma_semaphore, #tpu.memory_space<semaphore_mem>>
      %dma_start3A_154 = arith.constant 0 : i32
      %dma_start3A_155 = arith.constant 0 : i32
      %dma_start3A_156 = tpu.memref_slice %arg4[%select_n3A, %dma_start3A_154, %dma_start3A_155] : memref<2x16x1024xf32, #tpu.memory_space<hbm>> -> memref<1x16x1024xf32, #tpu.memory_space<hbm>>
      %dma_start3A_157 = tpu.memref_squeeze %dma_start3A_156 : memref<1x16x1024xf32, #tpu.memory_space<hbm>> -> memref<16x1024xf32, #tpu.memory_space<hbm>>
      %dma_start3A_158 = arith.constant 0 : i32
      %dma_start3A_159 = arith.constant 0 : i32
      %dma_start3A_160 = tpu.memref_slice %arg4[%select_n3A, %dma_start3A_158, %dma_start3A_159] : memref<2x16x1024xf32, #tpu.memory_space<hbm>> -> memref<1x16x1024xf32, #tpu.memory_space<hbm>>
      %dma_start3A_161 = tpu.memref_squeeze %dma_start3A_160 : memref<1x16x1024xf32, #tpu.memory_space<hbm>> -> memref<16x1024xf32, #tpu.memory_space<hbm>>
      tpu.enqueue_dma source(%dma_start3A_161 : memref<16x1024xf32, #tpu.memory_space<hbm>>) target(%arg9 : memref<16x1024xf32, #tpu.memory_space<vmem>>) target_semaphore(%run_scoped3A : memref<!tpu.dma_semaphore, #tpu.memory_space<semaphore_mem>>)
      %dma_wait3A_162 = arith.constant 0 : i32
      %dma_wait3A_163 = arith.constant 0 : i32
      %dma_wait3A_164 = tpu.memref_slice %arg4[%select_n3A, %dma_wait3A_162, %dma_wait3A_163] : memref<2x16x1024xf32, #tpu.memory_space<hbm>> -> memref<1x16x1024xf32, #tpu.memory_space<hbm>>
      %dma_wait3A_165 = tpu.memref_squeeze %dma_wait3A_164 : memref<1x16x1024xf32, #tpu.memory_space<hbm>> -> memref<16x1024xf32, #tpu.memory_space<hbm>>
      %dma_wait3A_166 = arith.constant 0 : i32
      %dma_wait3A_167 = arith.constant 0 : i32
      %dma_wait3A_168 = tpu.memref_slice %arg4[%select_n3A, %dma_wait3A_166, %dma_wait3A_167] : memref<2x16x1024xf32, #tpu.memory_space<hbm>> -> memref<1x16x1024xf32, #tpu.memory_space<hbm>>
      %dma_wait3A_169 = tpu.memref_squeeze %dma_wait3A_168 : memref<1x16x1024xf32, #tpu.memory_space<hbm>> -> memref<16x1024xf32, #tpu.memory_space<hbm>>
      tpu.wait_dma2 semaphore(%run_scoped3A : memref<!tpu.dma_semaphore, #tpu.memory_space<semaphore_mem>>) src(%dma_wait3A_169 : memref<16x1024xf32, #tpu.memory_space<hbm>>) dst(%arg9 : memref<16x1024xf32, #tpu.memory_space<vmem>>)
      tpu.yield
    }) : () -> ()
    %add3A_19 = arith.constant 0 : i32
    %add3A_20 = arith.addi %mul3A_2, %add3A_19 : i32
    %dma_start3A = arith.constant 0 : i32
    %dma_start3A_21 = arith.constant 0 : i32
    %dma_start3A_22 = arith.constant 0 : i32
    %dma_start3A_23 = arith.constant 0 : i32
    %dma_start3A_24 = tpu.memref_slice %arg7[%dma_start3A, %dma_start3A_22, %dma_start3A_23] : memref<2x16x1024xf32, #tpu.memory_space<vmem>> -> memref<1x16x1024xf32, #tpu.memory_space<vmem>>
    %dma_start3A_25 = tpu.memref_squeeze %dma_start3A_24 : memref<1x16x1024xf32, #tpu.memory_space<vmem>> -> memref<16x1024xf32, #tpu.memory_space<vmem>>
    %dma_start3A_26 = arith.constant 0 : i32
    %dma_start3A_27 = arith.constant 0 : i32
    %dma_start3A_28 = tpu.memref_slice %arg3[%add3A_20, %dma_start3A_26, %dma_start3A_27] : memref<2048x16x1024xf32, #tpu.memory_space<hbm>> -> memref<1x16x1024xf32, #tpu.memory_space<hbm>>
    %dma_start3A_29 = tpu.memref_squeeze %dma_start3A_28 : memref<1x16x1024xf32, #tpu.memory_space<hbm>> -> memref<16x1024xf32, #tpu.memory_space<hbm>>
    %dma_start3A_30 = tpu.memref_slice %arg11[%dma_start3A_21] : memref<2x!tpu.dma_semaphore, #tpu.memory_space<semaphore_mem>> -> memref<1x!tpu.dma_semaphore, #tpu.memory_space<semaphore_mem>>
    %dma_start3A_31 = tpu.memref_squeeze %dma_start3A_30 : memref<1x!tpu.dma_semaphore, #tpu.memory_space<semaphore_mem>> -> memref<!tpu.dma_semaphore, #tpu.memory_space<semaphore_mem>>
    %dma_start3A_32 = arith.constant 0 : i32
    %dma_start3A_33 = arith.constant 0 : i32
    %dma_start3A_34 = tpu.memref_slice %arg7[%dma_start3A, %dma_start3A_32, %dma_start3A_33] : memref<2x16x1024xf32, #tpu.memory_space<vmem>> -> memref<1x16x1024xf32, #tpu.memory_space<vmem>>
    %dma_start3A_35 = tpu.memref_squeeze %dma_start3A_34 : memref<1x16x1024xf32, #tpu.memory_space<vmem>> -> memref<16x1024xf32, #tpu.memory_space<vmem>>
    %dma_start3A_36 = arith.constant 0 : i32
    %dma_start3A_37 = arith.constant 0 : i32
    %dma_start3A_38 = tpu.memref_slice %arg3[%add3A_20, %dma_start3A_36, %dma_start3A_37] : memref<2048x16x1024xf32, #tpu.memory_space<hbm>> -> memref<1x16x1024xf32, #tpu.memory_space<hbm>>
    %dma_start3A_39 = tpu.memref_squeeze %dma_start3A_38 : memref<1x16x1024xf32, #tpu.memory_space<hbm>> -> memref<16x1024xf32, #tpu.memory_space<hbm>>
    tpu.enqueue_dma source(%dma_start3A_39 : memref<16x1024xf32, #tpu.memory_space<hbm>>) target(%dma_start3A_35 : memref<16x1024xf32, #tpu.memory_space<vmem>>) target_semaphore(%dma_start3A_31 : memref<!tpu.dma_semaphore, #tpu.memory_space<semaphore_mem>>)
    %add3A_40 = arith.constant 0 : i32
    %add3A_41 = arith.addi %mul3A_2, %add3A_40 : i32
    %dma_start3A_42 = arith.constant 0 : i32
    %dma_start3A_43 = arith.constant 0 : i32
    %dma_start3A_44 = arith.constant 0 : i32
    %dma_start3A_45 = tpu.memref_slice %arg8[%dma_start3A_42, %dma_start3A_44] : memref<2x1024xf32, #tpu.memory_space<vmem>> -> memref<1x1024xf32, #tpu.memory_space<vmem>>
    %dma_start3A_46 = tpu.memref_squeeze %dma_start3A_45 : memref<1x1024xf32, #tpu.memory_space<vmem>> -> memref<1024xf32, #tpu.memory_space<vmem>>
    %dma_start3A_47 = arith.constant 0 : i32
    %dma_start3A_48 = tpu.memref_slice %arg2[%add3A_41, %dma_start3A_47] : memref<2048x1024xf32, #tpu.memory_space<hbm>> -> memref<1x1024xf32, #tpu.memory_space<hbm>>
    %dma_start3A_49 = tpu.memref_squeeze %dma_start3A_48 : memref<1x1024xf32, #tpu.memory_space<hbm>> -> memref<1024xf32, #tpu.memory_space<hbm>>
    %dma_start3A_50 = tpu.memref_slice %arg12[%dma_start3A_43] : memref<2x!tpu.dma_semaphore, #tpu.memory_space<semaphore_mem>> -> memref<1x!tpu.dma_semaphore, #tpu.memory_space<semaphore_mem>>
    %dma_start3A_51 = tpu.memref_squeeze %dma_start3A_50 : memref<1x!tpu.dma_semaphore, #tpu.memory_space<semaphore_mem>> -> memref<!tpu.dma_semaphore, #tpu.memory_space<semaphore_mem>>
    %dma_start3A_52 = arith.constant 0 : i32
    %dma_start3A_53 = tpu.memref_slice %arg8[%dma_start3A_42, %dma_start3A_52] : memref<2x1024xf32, #tpu.memory_space<vmem>> -> memref<1x1024xf32, #tpu.memory_space<vmem>>
    %dma_start3A_54 = tpu.memref_squeeze %dma_start3A_53 : memref<1x1024xf32, #tpu.memory_space<vmem>> -> memref<1024xf32, #tpu.memory_space<vmem>>
    %dma_start3A_55 = arith.constant 0 : i32
    %dma_start3A_56 = tpu.memref_slice %arg2[%add3A_41, %dma_start3A_55] : memref<2048x1024xf32, #tpu.memory_space<hbm>> -> memref<1x1024xf32, #tpu.memory_space<hbm>>
    %dma_start3A_57 = tpu.memref_squeeze %dma_start3A_56 : memref<1x1024xf32, #tpu.memory_space<hbm>> -> memref<1024xf32, #tpu.memory_space<hbm>>
    tpu.enqueue_dma source(%dma_start3A_57 : memref<1024xf32, #tpu.memory_space<hbm>>) target(%dma_start3A_54 : memref<1024xf32, #tpu.memory_space<vmem>>) target_semaphore(%dma_start3A_51 : memref<!tpu.dma_semaphore, #tpu.memory_space<semaphore_mem>>)
    %add3A_58 = arith.constant 1 : i32
    %add3A_59 = arith.addi %mul3A_2, %add3A_58 : i32
    %dma_start3A_60 = arith.constant 1 : i32
    %dma_start3A_61 = arith.constant 1 : i32
    %dma_start3A_62 = arith.constant 0 : i32
    %dma_start3A_63 = arith.constant 0 : i32
    %dma_start3A_64 = tpu.memref_slice %arg7[%dma_start3A_60, %dma_start3A_62, %dma_start3A_63] : memref<2x16x1024xf32, #tpu.memory_space<vmem>> -> memref<1x16x1024xf32, #tpu.memory_space<vmem>>
    %dma_start3A_65 = tpu.memref_squeeze %dma_start3A_64 : memref<1x16x1024xf32, #tpu.memory_space<vmem>> -> memref<16x1024xf32, #tpu.memory_space<vmem>>
    %dma_start3A_66 = arith.constant 0 : i32
    %dma_start3A_67 = arith.constant 0 : i32
    %dma_start3A_68 = tpu.memref_slice %arg3[%add3A_59, %dma_start3A_66, %dma_start3A_67] : memref<2048x16x1024xf32, #tpu.memory_space<hbm>> -> memref<1x16x1024xf32, #tpu.memory_space<hbm>>
    %dma_start3A_69 = tpu.memref_squeeze %dma_start3A_68 : memref<1x16x1024xf32, #tpu.memory_space<hbm>> -> memref<16x1024xf32, #tpu.memory_space<hbm>>
    %dma_start3A_70 = tpu.memref_slice %arg11[%dma_start3A_61] : memref<2x!tpu.dma_semaphore, #tpu.memory_space<semaphore_mem>> -> memref<1x!tpu.dma_semaphore, #tpu.memory_space<semaphore_mem>>
    %dma_start3A_71 = tpu.memref_squeeze %dma_start3A_70 : memref<1x!tpu.dma_semaphore, #tpu.memory_space<semaphore_mem>> -> memref<!tpu.dma_semaphore, #tpu.memory_space<semaphore_mem>>
    %dma_start3A_72 = arith.constant 0 : i32
    %dma_start3A_73 = arith.constant 0 : i32
    %dma_start3A_74 = tpu.memref_slice %arg7[%dma_start3A_60, %dma_start3A_72, %dma_start3A_73] : memref<2x16x1024xf32, #tpu.memory_space<vmem>> -> memref<1x16x1024xf32, #tpu.memory_space<vmem>>
    %dma_start3A_75 = tpu.memref_squeeze %dma_start3A_74 : memref<1x16x1024xf32, #tpu.memory_space<vmem>> -> memref<16x1024xf32, #tpu.memory_space<vmem>>
    %dma_start3A_76 = arith.constant 0 : i32
    %dma_start3A_77 = arith.constant 0 : i32
    %dma_start3A_78 = tpu.memref_slice %arg3[%add3A_59, %dma_start3A_76, %dma_start3A_77] : memref<2048x16x1024xf32, #tpu.memory_space<hbm>> -> memref<1x16x1024xf32, #tpu.memory_space<hbm>>
    %dma_start3A_79 = tpu.memref_squeeze %dma_start3A_78 : memref<1x16x1024xf32, #tpu.memory_space<hbm>> -> memref<16x1024xf32, #tpu.memory_space<hbm>>
    tpu.enqueue_dma source(%dma_start3A_79 : memref<16x1024xf32, #tpu.memory_space<hbm>>) target(%dma_start3A_75 : memref<16x1024xf32, #tpu.memory_space<vmem>>) target_semaphore(%dma_start3A_71 : memref<!tpu.dma_semaphore, #tpu.memory_space<semaphore_mem>>)
    %add3A_80 = arith.constant 1 : i32
    %add3A_81 = arith.addi %mul3A_2, %add3A_80 : i32
    %dma_start3A_82 = arith.constant 1 : i32
    %dma_start3A_83 = arith.constant 1 : i32
    %dma_start3A_84 = arith.constant 0 : i32
    %dma_start3A_85 = tpu.memref_slice %arg8[%dma_start3A_82, %dma_start3A_84] : memref<2x1024xf32, #tpu.memory_space<vmem>> -> memref<1x1024xf32, #tpu.memory_space<vmem>>
    %dma_start3A_86 = tpu.memref_squeeze %dma_start3A_85 : memref<1x1024xf32, #tpu.memory_space<vmem>> -> memref<1024xf32, #tpu.memory_space<vmem>>
    %dma_start3A_87 = arith.constant 0 : i32
    %dma_start3A_88 = tpu.memref_slice %arg2[%add3A_81, %dma_start3A_87] : memref<2048x1024xf32, #tpu.memory_space<hbm>> -> memref<1x1024xf32, #tpu.memory_space<hbm>>
    %dma_start3A_89 = tpu.memref_squeeze %dma_start3A_88 : memref<1x1024xf32, #tpu.memory_space<hbm>> -> memref<1024xf32, #tpu.memory_space<hbm>>
    %dma_start3A_90 = tpu.memref_slice %arg12[%dma_start3A_83] : memref<2x!tpu.dma_semaphore, #tpu.memory_space<semaphore_mem>> -> memref<1x!tpu.dma_semaphore, #tpu.memory_space<semaphore_mem>>
    %dma_start3A_91 = tpu.memref_squeeze %dma_start3A_90 : memref<1x!tpu.dma_semaphore, #tpu.memory_space<semaphore_mem>> -> memref<!tpu.dma_semaphore, #tpu.memory_space<semaphore_mem>>
    %dma_start3A_92 = arith.constant 0 : i32
    %dma_start3A_93 = tpu.memref_slice %arg8[%dma_start3A_82, %dma_start3A_92] : memref<2x1024xf32, #tpu.memory_space<vmem>> -> memref<1x1024xf32, #tpu.memory_space<vmem>>
    %dma_start3A_94 = tpu.memref_squeeze %dma_start3A_93 : memref<1x1024xf32, #tpu.memory_space<vmem>> -> memref<1024xf32, #tpu.memory_space<vmem>>
    %dma_start3A_95 = arith.constant 0 : i32
    %dma_start3A_96 = tpu.memref_slice %arg2[%add3A_81, %dma_start3A_95] : memref<2048x1024xf32, #tpu.memory_space<hbm>> -> memref<1x1024xf32, #tpu.memory_space<hbm>>
    %dma_start3A_97 = tpu.memref_squeeze %dma_start3A_96 : memref<1x1024xf32, #tpu.memory_space<hbm>> -> memref<1024xf32, #tpu.memory_space<hbm>>
    tpu.enqueue_dma source(%dma_start3A_97 : memref<1024xf32, #tpu.memory_space<hbm>>) target(%dma_start3A_94 : memref<1024xf32, #tpu.memory_space<vmem>>) target_semaphore(%dma_start3A_91 : memref<!tpu.dma_semaphore, #tpu.memory_space<semaphore_mem>>)
    %scan3A = arith.constant 0 : i32
    %scan3A_98 = arith.constant 0 : i32
    %scan3A_99 = arith.constant 32 : i32
    %scan3A_100 = arith.addi %scan3A_98, %scan3A_99 : i32
    %scan3A_101 = arith.constant 1 : i32
    scf.for %scan3A_154 = %scan3A_98 to %scan3A_100 step %scan3A_101  : i32 {
      %mul3A_155 = arith.constant 2 : i32
      %mul3A_156 = arith.muli %scan3A_154, %mul3A_155 : i32
      %add3A_157 = arith.addi %mul3A_2, %mul3A_156 : i32
      %add3A_158 = arith.constant 0 : i32
      %add3A_159 = arith.addi %add3A_157, %add3A_158 : i32
      %mul3A_160 = arith.constant 2 : i32
      %mul3A_161 = arith.muli %scan3A_154, %mul3A_160 : i32
      %add3A_162 = arith.constant 0 : i32
      %add3A_163 = arith.addi %mul3A_161, %add3A_162 : i32
      %dma_wait3A_164 = arith.constant 0 : i32
      %dma_wait3A_165 = arith.constant 0 : i32
      %dma_wait3A_166 = arith.constant 0 : i32
      %dma_wait3A_167 = arith.constant 0 : i32
      %dma_wait3A_168 = tpu.memref_slice %arg7[%dma_wait3A_164, %dma_wait3A_166, %dma_wait3A_167] : memref<2x16x1024xf32, #tpu.memory_space<vmem>> -> memref<1x16x1024xf32, #tpu.memory_space<vmem>>
      %dma_wait3A_169 = tpu.memref_squeeze %dma_wait3A_168 : memref<1x16x1024xf32, #tpu.memory_space<vmem>> -> memref<16x1024xf32, #tpu.memory_space<vmem>>
      %dma_wait3A_170 = arith.constant 0 : i32
      %dma_wait3A_171 = arith.constant 0 : i32
      %dma_wait3A_172 = tpu.memref_slice %arg3[%add3A_159, %dma_wait3A_170, %dma_wait3A_171] : memref<2048x16x1024xf32, #tpu.memory_space<hbm>> -> memref<1x16x1024xf32, #tpu.memory_space<hbm>>
      %dma_wait3A_173 = tpu.memref_squeeze %dma_wait3A_172 : memref<1x16x1024xf32, #tpu.memory_space<hbm>> -> memref<16x1024xf32, #tpu.memory_space<hbm>>
      %dma_wait3A_174 = tpu.memref_slice %arg11[%dma_wait3A_165] : memref<2x!tpu.dma_semaphore, #tpu.memory_space<semaphore_mem>> -> memref<1x!tpu.dma_semaphore, #tpu.memory_space<semaphore_mem>>
      %dma_wait3A_175 = tpu.memref_squeeze %dma_wait3A_174 : memref<1x!tpu.dma_semaphore, #tpu.memory_space<semaphore_mem>> -> memref<!tpu.dma_semaphore, #tpu.memory_space<semaphore_mem>>
      %dma_wait3A_176 = arith.constant 0 : i32
      %dma_wait3A_177 = arith.constant 0 : i32
      %dma_wait3A_178 = tpu.memref_slice %arg7[%dma_wait3A_164, %dma_wait3A_176, %dma_wait3A_177] : memref<2x16x1024xf32, #tpu.memory_space<vmem>> -> memref<1x16x1024xf32, #tpu.memory_space<vmem>>
      %dma_wait3A_179 = tpu.memref_squeeze %dma_wait3A_178 : memref<1x16x1024xf32, #tpu.memory_space<vmem>> -> memref<16x1024xf32, #tpu.memory_space<vmem>>
      %dma_wait3A_180 = arith.constant 0 : i32
      %dma_wait3A_181 = arith.constant 0 : i32
      %dma_wait3A_182 = tpu.memref_slice %arg3[%add3A_159, %dma_wait3A_180, %dma_wait3A_181] : memref<2048x16x1024xf32, #tpu.memory_space<hbm>> -> memref<1x16x1024xf32, #tpu.memory_space<hbm>>
      %dma_wait3A_183 = tpu.memref_squeeze %dma_wait3A_182 : memref<1x16x1024xf32, #tpu.memory_space<hbm>> -> memref<16x1024xf32, #tpu.memory_space<hbm>>
      tpu.wait_dma2 semaphore(%dma_wait3A_175 : memref<!tpu.dma_semaphore, #tpu.memory_space<semaphore_mem>>) src(%dma_wait3A_183 : memref<16x1024xf32, #tpu.memory_space<hbm>>) dst(%dma_wait3A_179 : memref<16x1024xf32, #tpu.memory_space<vmem>>)
      %dma_wait3A_184 = arith.constant 0 : i32
      %dma_wait3A_185 = arith.constant 0 : i32
      %dma_wait3A_186 = arith.constant 0 : i32
      %dma_wait3A_187 = tpu.memref_slice %arg8[%dma_wait3A_184, %dma_wait3A_186] : memref<2x1024xf32, #tpu.memory_space<vmem>> -> memref<1x1024xf32, #tpu.memory_space<vmem>>
      %dma_wait3A_188 = tpu.memref_squeeze %dma_wait3A_187 : memref<1x1024xf32, #tpu.memory_space<vmem>> -> memref<1024xf32, #tpu.memory_space<vmem>>
      %dma_wait3A_189 = arith.constant 0 : i32
      %dma_wait3A_190 = tpu.memref_slice %arg2[%add3A_159, %dma_wait3A_189] : memref<2048x1024xf32, #tpu.memory_space<hbm>> -> memref<1x1024xf32, #tpu.memory_space<hbm>>
      %dma_wait3A_191 = tpu.memref_squeeze %dma_wait3A_190 : memref<1x1024xf32, #tpu.memory_space<hbm>> -> memref<1024xf32, #tpu.memory_space<hbm>>
      %dma_wait3A_192 = tpu.memref_slice %arg12[%dma_wait3A_185] : memref<2x!tpu.dma_semaphore, #tpu.memory_space<semaphore_mem>> -> memref<1x!tpu.dma_semaphore, #tpu.memory_space<semaphore_mem>>
      %dma_wait3A_193 = tpu.memref_squeeze %dma_wait3A_192 : memref<1x!tpu.dma_semaphore, #tpu.memory_space<semaphore_mem>> -> memref<!tpu.dma_semaphore, #tpu.memory_space<semaphore_mem>>
      %dma_wait3A_194 = arith.constant 0 : i32
      %dma_wait3A_195 = tpu.memref_slice %arg8[%dma_wait3A_184, %dma_wait3A_194] : memref<2x1024xf32, #tpu.memory_space<vmem>> -> memref<1x1024xf32, #tpu.memory_space<vmem>>
      %dma_wait3A_196 = tpu.memref_squeeze %dma_wait3A_195 : memref<1x1024xf32, #tpu.memory_space<vmem>> -> memref<1024xf32, #tpu.memory_space<vmem>>
      %dma_wait3A_197 = arith.constant 0 : i32
      %dma_wait3A_198 = tpu.memref_slice %arg2[%add3A_159, %dma_wait3A_197] : memref<2048x1024xf32, #tpu.memory_space<hbm>> -> memref<1x1024xf32, #tpu.memory_space<hbm>>
      %dma_wait3A_199 = tpu.memref_squeeze %dma_wait3A_198 : memref<1x1024xf32, #tpu.memory_space<hbm>> -> memref<1024xf32, #tpu.memory_space<hbm>>
      tpu.wait_dma2 semaphore(%dma_wait3A_193 : memref<!tpu.dma_semaphore, #tpu.memory_space<semaphore_mem>>) src(%dma_wait3A_199 : memref<1024xf32, #tpu.memory_space<hbm>>) dst(%dma_wait3A_196 : memref<1024xf32, #tpu.memory_space<vmem>>)
      %broadcast_in_dim3A = arith.constant 0.000000e+00 : f32
      %broadcast_in_dim3A_200 = vector.broadcast %broadcast_in_dim3A : f32 to vector<16xf32>
      %scan3A_201 = arith.constant 0 : i32
      %scan3A_202 = arith.constant 64 : i32
      %scan3A_203 = arith.addi %scan3A_201, %scan3A_202 : i32
      %scan3A_204 = arith.constant 1 : i32
      %scan3A_205:17 = scf.for %scan3A_470 = %scan3A_201 to %scan3A_203 step %scan3A_204 iter_args(%scan3A_471 = %broadcast_in_dim3A_200, %scan3A_472 = %broadcast_in_dim3A_200, %scan3A_473 = %broadcast_in_dim3A_200, %scan3A_474 = %broadcast_in_dim3A_200, %scan3A_475 = %broadcast_in_dim3A_200, %scan3A_476 = %broadcast_in_dim3A_200, %scan3A_477 = %broadcast_in_dim3A_200, %scan3A_478 = %broadcast_in_dim3A_200, %scan3A_479 = %broadcast_in_dim3A_200, %scan3A_480 = %broadcast_in_dim3A_200, %scan3A_481 = %broadcast_in_dim3A_200, %scan3A_482 = %broadcast_in_dim3A_200, %scan3A_483 = %broadcast_in_dim3A_200, %scan3A_484 = %broadcast_in_dim3A_200, %scan3A_485 = %broadcast_in_dim3A_200, %scan3A_486 = %broadcast_in_dim3A_200, %scan3A_487 = %broadcast_in_dim3A_200) -> (vector<16xf32>, vector<16xf32>, vector<16xf32>, vector<16xf32>, vector<16xf32>, vector<16xf32>, vector<16xf32>, vector<16xf32>, vector<16xf32>, vector<16xf32>, vector<16xf32>, vector<16xf32>, vector<16xf32>, vector<16xf32>, vector<16xf32>, vector<16xf32>, vector<16xf32>)  : i32 {
        %mul3A_488 = arith.constant 16 : i32
        %mul3A_489 = arith.muli %scan3A_470, %mul3A_488 : i32
        %get3A = arith.constant 0 : i32
        %get3A_490 = arith.index_cast %get3A : i32 to index
        %get3A_491 = arith.index_cast %mul3A_489 : i32 to index
        %get3A_492 = tpu.vector_load %arg8[%get3A_490, %get3A_491] {strides = array<i32>} : memref<2x1024xf32, #tpu.memory_space<vmem>>, vector<1x16xf32>,
        %get3A_493 = vector.shape_cast %get3A_492 : vector<1x16xf32> to vector<16xf32>
        %add3A_494 = arith.addf %scan3A_471, %get3A_493 : vector<16xf32>
        %get3A_495 = arith.constant 0 : i32
        %get3A_496 = arith.constant 0 : i32
        %get3A_497 = arith.index_cast %get3A_495 : i32 to index
        %get3A_498 = arith.index_cast %get3A_496 : i32 to index
        %get3A_499 = arith.index_cast %mul3A_489 : i32 to index
        %get3A_500 = tpu.vector_load %arg7[%get3A_497, %get3A_498, %get3A_499] {strides = array<i32>} : memref<2x16x1024xf32, #tpu.memory_space<vmem>>, vector<1x1x16xf32>,
        %get3A_501 = vector.shape_cast %get3A_500 : vector<1x1x16xf32> to vector<16xf32>
        %get3A_502 = arith.constant 0 : i32
        %get3A_503 = arith.index_cast %get3A_502 : i32 to index
        %get3A_504 = arith.index_cast %mul3A_489 : i32 to index
        %get3A_505 = tpu.vector_load %arg9[%get3A_503, %get3A_504] {strides = array<i32>} : memref<16x1024xf32, #tpu.memory_space<vmem>>, vector<1x16xf32>,
        %get3A_506 = vector.shape_cast %get3A_505 : vector<1x16xf32> to vector<16xf32>
        %mul3A_507 = arith.mulf %get3A_493, %get3A_501 : vector<16xf32>
        %mul3A_508 = arith.mulf %mul3A_507, %get3A_506 : vector<16xf32>
        %add3A_509 = arith.addf %scan3A_472, %mul3A_508 : vector<16xf32>
        %get3A_510 = arith.constant 0 : i32
        %get3A_511 = arith.constant 1 : i32
        %get3A_512 = arith.index_cast %get3A_510 : i32 to index
        %get3A_513 = arith.index_cast %get3A_511 : i32 to index
        %get3A_514 = arith.index_cast %mul3A_489 : i32 to index
        %get3A_515 = tpu.vector_load %arg7[%get3A_512, %get3A_513, %get3A_514] {strides = array<i32>} : memref<2x16x1024xf32, #tpu.memory_space<vmem>>, vector<1x1x16xf32>,
        %get3A_516 = vector.shape_cast %get3A_515 : vector<1x1x16xf32> to vector<16xf32>
        %get3A_517 = arith.constant 1 : i32
        %get3A_518 = arith.index_cast %get3A_517 : i32 to index
        %get3A_519 = arith.index_cast %mul3A_489 : i32 to index
        %get3A_520 = tpu.vector_load %arg9[%get3A_518, %get3A_519] {strides = array<i32>} : memref<16x1024xf32, #tpu.memory_space<vmem>>, vector<1x16xf32>,
        %get3A_521 = vector.shape_cast %get3A_520 : vector<1x16xf32> to vector<16xf32>
        %mul3A_522 = arith.mulf %get3A_493, %get3A_516 : vector<16xf32>
        %mul3A_523 = arith.mulf %mul3A_522, %get3A_521 : vector<16xf32>
        %add3A_524 = arith.addf %scan3A_473, %mul3A_523 : vector<16xf32>
        %get3A_525 = arith.constant 0 : i32
        %get3A_526 = arith.constant 2 : i32
        %get3A_527 = arith.index_cast %get3A_525 : i32 to index
        %get3A_528 = arith.index_cast %get3A_526 : i32 to index
        %get3A_529 = arith.index_cast %mul3A_489 : i32 to index
        %get3A_530 = tpu.vector_load %arg7[%get3A_527, %get3A_528, %get3A_529] {strides = array<i32>} : memref<2x16x1024xf32, #tpu.memory_space<vmem>>, vector<1x1x16xf32>,
        %get3A_531 = vector.shape_cast %get3A_530 : vector<1x1x16xf32> to vector<16xf32>
        %get3A_532 = arith.constant 2 : i32
        %get3A_533 = arith.index_cast %get3A_532 : i32 to index
        %get3A_534 = arith.index_cast %mul3A_489 : i32 to index
        %get3A_535 = tpu.vector_load %arg9[%get3A_533, %get3A_534] {strides = array<i32>} : memref<16x1024xf32, #tpu.memory_space<vmem>>, vector<1x16xf32>,
        %get3A_536 = vector.shape_cast %get3A_535 : vector<1x16xf32> to vector<16xf32>
        %mul3A_537 = arith.mulf %get3A_493, %get3A_531 : vector<16xf32>
        %mul3A_538 = arith.mulf %mul3A_537, %get3A_536 : vector<16xf32>
        %add3A_539 = arith.addf %scan3A_474, %mul3A_538 : vector<16xf32>
        %get3A_540 = arith.constant 0 : i32
        %get3A_541 = arith.constant 3 : i32
        %get3A_542 = arith.index_cast %get3A_540 : i32 to index
        %get3A_543 = arith.index_cast %get3A_541 : i32 to index
        %get3A_544 = arith.index_cast %mul3A_489 : i32 to index
        %get3A_545 = tpu.vector_load %arg7[%get3A_542, %get3A_543, %get3A_544] {strides = array<i32>} : memref<2x16x1024xf32, #tpu.memory_space<vmem>>, vector<1x1x16xf32>,
        %get3A_546 = vector.shape_cast %get3A_545 : vector<1x1x16xf32> to vector<16xf32>
        %get3A_547 = arith.constant 3 : i32
        %get3A_548 = arith.index_cast %get3A_547 : i32 to index
        %get3A_549 = arith.index_cast %mul3A_489 : i32 to index
        %get3A_550 = tpu.vector_load %arg9[%get3A_548, %get3A_549] {strides = array<i32>} : memref<16x1024xf32, #tpu.memory_space<vmem>>, vector<1x16xf32>,
        %get3A_551 = vector.shape_cast %get3A_550 : vector<1x16xf32> to vector<16xf32>
        %mul3A_552 = arith.mulf %get3A_493, %get3A_546 : vector<16xf32>
        %mul3A_553 = arith.mulf %mul3A_552, %get3A_551 : vector<16xf32>
        %add3A_554 = arith.addf %scan3A_475, %mul3A_553 : vector<16xf32>
        %get3A_555 = arith.constant 0 : i32
        %get3A_556 = arith.constant 4 : i32
        %get3A_557 = arith.index_cast %get3A_555 : i32 to index
        %get3A_558 = arith.index_cast %get3A_556 : i32 to index
        %get3A_559 = arith.index_cast %mul3A_489 : i32 to index
        %get3A_560 = tpu.vector_load %arg7[%get3A_557, %get3A_558, %get3A_559] {strides = array<i32>} : memref<2x16x1024xf32, #tpu.memory_space<vmem>>, vector<1x1x16xf32>,
        %get3A_561 = vector.shape_cast %get3A_560 : vector<1x1x16xf32> to vector<16xf32>
        %get3A_562 = arith.constant 4 : i32
        %get3A_563 = arith.index_cast %get3A_562 : i32 to index
        %get3A_564 = arith.index_cast %mul3A_489 : i32 to index
        %get3A_565 = tpu.vector_load %arg9[%get3A_563, %get3A_564] {strides = array<i32>} : memref<16x1024xf32, #tpu.memory_space<vmem>>, vector<1x16xf32>,
        %get3A_566 = vector.shape_cast %get3A_565 : vector<1x16xf32> to vector<16xf32>
        %mul3A_567 = arith.mulf %get3A_493, %get3A_561 : vector<16xf32>
        %mul3A_568 = arith.mulf %mul3A_567, %get3A_566 : vector<16xf32>
        %add3A_569 = arith.addf %scan3A_476, %mul3A_568 : vector<16xf32>
        %get3A_570 = arith.constant 0 : i32
        %get3A_571 = arith.constant 5 : i32
        %get3A_572 = arith.index_cast %get3A_570 : i32 to index
        %get3A_573 = arith.index_cast %get3A_571 : i32 to index
        %get3A_574 = arith.index_cast %mul3A_489 : i32 to index
        %get3A_575 = tpu.vector_load %arg7[%get3A_572, %get3A_573, %get3A_574] {strides = array<i32>} : memref<2x16x1024xf32, #tpu.memory_space<vmem>>, vector<1x1x16xf32>,
        %get3A_576 = vector.shape_cast %get3A_575 : vector<1x1x16xf32> to vector<16xf32>
        %get3A_577 = arith.constant 5 : i32
        %get3A_578 = arith.index_cast %get3A_577 : i32 to index
        %get3A_579 = arith.index_cast %mul3A_489 : i32 to index
        %get3A_580 = tpu.vector_load %arg9[%get3A_578, %get3A_579] {strides = array<i32>} : memref<16x1024xf32, #tpu.memory_space<vmem>>, vector<1x16xf32>,
        %get3A_581 = vector.shape_cast %get3A_580 : vector<1x16xf32> to vector<16xf32>
        %mul3A_582 = arith.mulf %get3A_493, %get3A_576 : vector<16xf32>
        %mul3A_583 = arith.mulf %mul3A_582, %get3A_581 : vector<16xf32>
        %add3A_584 = arith.addf %scan3A_477, %mul3A_583 : vector<16xf32>
        %get3A_585 = arith.constant 0 : i32
        %get3A_586 = arith.constant 6 : i32
        %get3A_587 = arith.index_cast %get3A_585 : i32 to index
        %get3A_588 = arith.index_cast %get3A_586 : i32 to index
        %get3A_589 = arith.index_cast %mul3A_489 : i32 to index
        %get3A_590 = tpu.vector_load %arg7[%get3A_587, %get3A_588, %get3A_589] {strides = array<i32>} : memref<2x16x1024xf32, #tpu.memory_space<vmem>>, vector<1x1x16xf32>,
        %get3A_591 = vector.shape_cast %get3A_590 : vector<1x1x16xf32> to vector<16xf32>
        %get3A_592 = arith.constant 6 : i32
        %get3A_593 = arith.index_cast %get3A_592 : i32 to index
        %get3A_594 = arith.index_cast %mul3A_489 : i32 to index
        %get3A_595 = tpu.vector_load %arg9[%get3A_593, %get3A_594] {strides = array<i32>} : memref<16x1024xf32, #tpu.memory_space<vmem>>, vector<1x16xf32>,
        %get3A_596 = vector.shape_cast %get3A_595 : vector<1x16xf32> to vector<16xf32>
        %mul3A_597 = arith.mulf %get3A_493, %get3A_591 : vector<16xf32>
        %mul3A_598 = arith.mulf %mul3A_597, %get3A_596 : vector<16xf32>
        %add3A_599 = arith.addf %scan3A_478, %mul3A_598 : vector<16xf32>
        %get3A_600 = arith.constant 0 : i32
        %get3A_601 = arith.constant 7 : i32
        %get3A_602 = arith.index_cast %get3A_600 : i32 to index
        %get3A_603 = arith.index_cast %get3A_601 : i32 to index
        %get3A_604 = arith.index_cast %mul3A_489 : i32 to index
        %get3A_605 = tpu.vector_load %arg7[%get3A_602, %get3A_603, %get3A_604] {strides = array<i32>} : memref<2x16x1024xf32, #tpu.memory_space<vmem>>, vector<1x1x16xf32>,
        %get3A_606 = vector.shape_cast %get3A_605 : vector<1x1x16xf32> to vector<16xf32>
        %get3A_607 = arith.constant 7 : i32
        %get3A_608 = arith.index_cast %get3A_607 : i32 to index
        %get3A_609 = arith.index_cast %mul3A_489 : i32 to index
        %get3A_610 = tpu.vector_load %arg9[%get3A_608, %get3A_609] {strides = array<i32>} : memref<16x1024xf32, #tpu.memory_space<vmem>>, vector<1x16xf32>,
        %get3A_611 = vector.shape_cast %get3A_610 : vector<1x16xf32> to vector<16xf32>
        %mul3A_612 = arith.mulf %get3A_493, %get3A_606 : vector<16xf32>
        %mul3A_613 = arith.mulf %mul3A_612, %get3A_611 : vector<16xf32>
        %add3A_614 = arith.addf %scan3A_479, %mul3A_613 : vector<16xf32>
        %get3A_615 = arith.constant 0 : i32
        %get3A_616 = arith.constant 8 : i32
        %get3A_617 = arith.index_cast %get3A_615 : i32 to index
        %get3A_618 = arith.index_cast %get3A_616 : i32 to index
        %get3A_619 = arith.index_cast %mul3A_489 : i32 to index
        %get3A_620 = tpu.vector_load %arg7[%get3A_617, %get3A_618, %get3A_619] {strides = array<i32>} : memref<2x16x1024xf32, #tpu.memory_space<vmem>>, vector<1x1x16xf32>,
        %get3A_621 = vector.shape_cast %get3A_620 : vector<1x1x16xf32> to vector<16xf32>
        %get3A_622 = arith.constant 8 : i32
        %get3A_623 = arith.index_cast %get3A_622 : i32 to index
        %get3A_624 = arith.index_cast %mul3A_489 : i32 to index
        %get3A_625 = tpu.vector_load %arg9[%get3A_623, %get3A_624] {strides = array<i32>} : memref<16x1024xf32, #tpu.memory_space<vmem>>, vector<1x16xf32>,
        %get3A_626 = vector.shape_cast %get3A_625 : vector<1x16xf32> to vector<16xf32>
        %mul3A_627 = arith.mulf %get3A_493, %get3A_621 : vector<16xf32>
        %mul3A_628 = arith.mulf %mul3A_627, %get3A_626 : vector<16xf32>
        %add3A_629 = arith.addf %scan3A_480, %mul3A_628 : vector<16xf32>
        %get3A_630 = arith.constant 0 : i32
        %get3A_631 = arith.constant 9 : i32
        %get3A_632 = arith.index_cast %get3A_630 : i32 to index
        %get3A_633 = arith.index_cast %get3A_631 : i32 to index
        %get3A_634 = arith.index_cast %mul3A_489 : i32 to index
        %get3A_635 = tpu.vector_load %arg7[%get3A_632, %get3A_633, %get3A_634] {strides = array<i32>} : memref<2x16x1024xf32, #tpu.memory_space<vmem>>, vector<1x1x16xf32>,
        %get3A_636 = vector.shape_cast %get3A_635 : vector<1x1x16xf32> to vector<16xf32>
        %get3A_637 = arith.constant 9 : i32
        %get3A_638 = arith.index_cast %get3A_637 : i32 to index
        %get3A_639 = arith.index_cast %mul3A_489 : i32 to index
        %get3A_640 = tpu.vector_load %arg9[%get3A_638, %get3A_639] {strides = array<i32>} : memref<16x1024xf32, #tpu.memory_space<vmem>>, vector<1x16xf32>,
        %get3A_641 = vector.shape_cast %get3A_640 : vector<1x16xf32> to vector<16xf32>
        %mul3A_642 = arith.mulf %get3A_493, %get3A_636 : vector<16xf32>
        %mul3A_643 = arith.mulf %mul3A_642, %get3A_641 : vector<16xf32>
        %add3A_644 = arith.addf %scan3A_481, %mul3A_643 : vector<16xf32>
        %get3A_645 = arith.constant 0 : i32
        %get3A_646 = arith.constant 10 : i32
        %get3A_647 = arith.index_cast %get3A_645 : i32 to index
        %get3A_648 = arith.index_cast %get3A_646 : i32 to index
        %get3A_649 = arith.index_cast %mul3A_489 : i32 to index
        %get3A_650 = tpu.vector_load %arg7[%get3A_647, %get3A_648, %get3A_649] {strides = array<i32>} : memref<2x16x1024xf32, #tpu.memory_space<vmem>>, vector<1x1x16xf32>,
        %get3A_651 = vector.shape_cast %get3A_650 : vector<1x1x16xf32> to vector<16xf32>
        %get3A_652 = arith.constant 10 : i32
        %get3A_653 = arith.index_cast %get3A_652 : i32 to index
        %get3A_654 = arith.index_cast %mul3A_489 : i32 to index
        %get3A_655 = tpu.vector_load %arg9[%get3A_653, %get3A_654] {strides = array<i32>} : memref<16x1024xf32, #tpu.memory_space<vmem>>, vector<1x16xf32>,
        %get3A_656 = vector.shape_cast %get3A_655 : vector<1x16xf32> to vector<16xf32>
        %mul3A_657 = arith.mulf %get3A_493, %get3A_651 : vector<16xf32>
        %mul3A_658 = arith.mulf %mul3A_657, %get3A_656 : vector<16xf32>
        %add3A_659 = arith.addf %scan3A_482, %mul3A_658 : vector<16xf32>
        %get3A_660 = arith.constant 0 : i32
        %get3A_661 = arith.constant 11 : i32
        %get3A_662 = arith.index_cast %get3A_660 : i32 to index
        %get3A_663 = arith.index_cast %get3A_661 : i32 to index
        %get3A_664 = arith.index_cast %mul3A_489 : i32 to index
        %get3A_665 = tpu.vector_load %arg7[%get3A_662, %get3A_663, %get3A_664] {strides = array<i32>} : memref<2x16x1024xf32, #tpu.memory_space<vmem>>, vector<1x1x16xf32>,
        %get3A_666 = vector.shape_cast %get3A_665 : vector<1x1x16xf32> to vector<16xf32>
        %get3A_667 = arith.constant 11 : i32
        %get3A_668 = arith.index_cast %get3A_667 : i32 to index
        %get3A_669 = arith.index_cast %mul3A_489 : i32 to index
        %get3A_670 = tpu.vector_load %arg9[%get3A_668, %get3A_669] {strides = array<i32>} : memref<16x1024xf32, #tpu.memory_space<vmem>>, vector<1x16xf32>,
        %get3A_671 = vector.shape_cast %get3A_670 : vector<1x16xf32> to vector<16xf32>
        %mul3A_672 = arith.mulf %get3A_493, %get3A_666 : vector<16xf32>
        %mul3A_673 = arith.mulf %mul3A_672, %get3A_671 : vector<16xf32>
        %add3A_674 = arith.addf %scan3A_483, %mul3A_673 : vector<16xf32>
        %get3A_675 = arith.constant 0 : i32
        %get3A_676 = arith.constant 12 : i32
        %get3A_677 = arith.index_cast %get3A_675 : i32 to index
        %get3A_678 = arith.index_cast %get3A_676 : i32 to index
        %get3A_679 = arith.index_cast %mul3A_489 : i32 to index
        %get3A_680 = tpu.vector_load %arg7[%get3A_677, %get3A_678, %get3A_679] {strides = array<i32>} : memref<2x16x1024xf32, #tpu.memory_space<vmem>>, vector<1x1x16xf32>,
        %get3A_681 = vector.shape_cast %get3A_680 : vector<1x1x16xf32> to vector<16xf32>
        %get3A_682 = arith.constant 12 : i32
        %get3A_683 = arith.index_cast %get3A_682 : i32 to index
        %get3A_684 = arith.index_cast %mul3A_489 : i32 to index
        %get3A_685 = tpu.vector_load %arg9[%get3A_683, %get3A_684] {strides = array<i32>} : memref<16x1024xf32, #tpu.memory_space<vmem>>, vector<1x16xf32>,
        %get3A_686 = vector.shape_cast %get3A_685 : vector<1x16xf32> to vector<16xf32>
        %mul3A_687 = arith.mulf %get3A_493, %get3A_681 : vector<16xf32>
        %mul3A_688 = arith.mulf %mul3A_687, %get3A_686 : vector<16xf32>
        %add3A_689 = arith.addf %scan3A_484, %mul3A_688 : vector<16xf32>
        %get3A_690 = arith.constant 0 : i32
        %get3A_691 = arith.constant 13 : i32
        %get3A_692 = arith.index_cast %get3A_690 : i32 to index
        %get3A_693 = arith.index_cast %get3A_691 : i32 to index
        %get3A_694 = arith.index_cast %mul3A_489 : i32 to index
        %get3A_695 = tpu.vector_load %arg7[%get3A_692, %get3A_693, %get3A_694] {strides = array<i32>} : memref<2x16x1024xf32, #tpu.memory_space<vmem>>, vector<1x1x16xf32>,
        %get3A_696 = vector.shape_cast %get3A_695 : vector<1x1x16xf32> to vector<16xf32>
        %get3A_697 = arith.constant 13 : i32
        %get3A_698 = arith.index_cast %get3A_697 : i32 to index
        %get3A_699 = arith.index_cast %mul3A_489 : i32 to index
        %get3A_700 = tpu.vector_load %arg9[%get3A_698, %get3A_699] {strides = array<i32>} : memref<16x1024xf32, #tpu.memory_space<vmem>>, vector<1x16xf32>,
        %get3A_701 = vector.shape_cast %get3A_700 : vector<1x16xf32> to vector<16xf32>
        %mul3A_702 = arith.mulf %get3A_493, %get3A_696 : vector<16xf32>
        %mul3A_703 = arith.mulf %mul3A_702, %get3A_701 : vector<16xf32>
        %add3A_704 = arith.addf %scan3A_485, %mul3A_703 : vector<16xf32>
        %get3A_705 = arith.constant 0 : i32
        %get3A_706 = arith.constant 14 : i32
        %get3A_707 = arith.index_cast %get3A_705 : i32 to index
        %get3A_708 = arith.index_cast %get3A_706 : i32 to index
        %get3A_709 = arith.index_cast %mul3A_489 : i32 to index
        %get3A_710 = tpu.vector_load %arg7[%get3A_707, %get3A_708, %get3A_709] {strides = array<i32>} : memref<2x16x1024xf32, #tpu.memory_space<vmem>>, vector<1x1x16xf32>,
        %get3A_711 = vector.shape_cast %get3A_710 : vector<1x1x16xf32> to vector<16xf32>
        %get3A_712 = arith.constant 14 : i32
        %get3A_713 = arith.index_cast %get3A_712 : i32 to index
        %get3A_714 = arith.index_cast %mul3A_489 : i32 to index
        %get3A_715 = tpu.vector_load %arg9[%get3A_713, %get3A_714] {strides = array<i32>} : memref<16x1024xf32, #tpu.memory_space<vmem>>, vector<1x16xf32>,
        %get3A_716 = vector.shape_cast %get3A_715 : vector<1x16xf32> to vector<16xf32>
        %mul3A_717 = arith.mulf %get3A_493, %get3A_711 : vector<16xf32>
        %mul3A_718 = arith.mulf %mul3A_717, %get3A_716 : vector<16xf32>
        %add3A_719 = arith.addf %scan3A_486, %mul3A_718 : vector<16xf32>
        %get3A_720 = arith.constant 0 : i32
        %get3A_721 = arith.constant 15 : i32
        %get3A_722 = arith.index_cast %get3A_720 : i32 to index
        %get3A_723 = arith.index_cast %get3A_721 : i32 to index
        %get3A_724 = arith.index_cast %mul3A_489 : i32 to index
        %get3A_725 = tpu.vector_load %arg7[%get3A_722, %get3A_723, %get3A_724] {strides = array<i32>} : memref<2x16x1024xf32, #tpu.memory_space<vmem>>, vector<1x1x16xf32>,
        %get3A_726 = vector.shape_cast %get3A_725 : vector<1x1x16xf32> to vector<16xf32>
        %get3A_727 = arith.constant 15 : i32
        %get3A_728 = arith.index_cast %get3A_727 : i32 to index
        %get3A_729 = arith.index_cast %mul3A_489 : i32 to index
        %get3A_730 = tpu.vector_load %arg9[%get3A_728, %get3A_729] {strides = array<i32>} : memref<16x1024xf32, #tpu.memory_space<vmem>>, vector<1x16xf32>,
        %get3A_731 = vector.shape_cast %get3A_730 : vector<1x16xf32> to vector<16xf32>
        %mul3A_732 = arith.mulf %get3A_493, %get3A_726 : vector<16xf32>
        %mul3A_733 = arith.mulf %mul3A_732, %get3A_731 : vector<16xf32>
        %add3A_734 = arith.addf %scan3A_487, %mul3A_733 : vector<16xf32>
        scf.yield %add3A_494, %add3A_509, %add3A_524, %add3A_539, %add3A_554, %add3A_569, %add3A_584, %add3A_599, %add3A_614, %add3A_629, %add3A_644, %add3A_659, %add3A_674, %add3A_689, %add3A_704, %add3A_719, %add3A_734 : vector<16xf32>, vector<16xf32>, vector<16xf32>, vector<16xf32>, vector<16xf32>, vector<16xf32>, vector<16xf32>, vector<16xf32>, vector<16xf32>, vector<16xf32>, vector<16xf32>, vector<16xf32>, vector<16xf32>, vector<16xf32>, vector<16xf32>, vector<16xf32>, vector<16xf32>
      }
      %scan3A_206 = arith.constant 64 : i32
      %swap3A = arith.index_cast %add3A_163 : i32 to index
      %swap3A_207 = arith.constant 0 : index
      %swap3A_208 = tpu.vector_load %arg10[%swap3A, %swap3A_207] {strides = array<i32>} : memref<64x272xf32, #tpu.memory_space<vmem>>, vector<1x16xf32>,
      %swap3A_209 = vector.shape_cast %swap3A_208 : vector<1x16xf32> to vector<16xf32>
      %swap3A_210 = vector.shape_cast %scan3A_205#1 : vector<16xf32> to vector<1x16xf32>
      tpu.vector_store %arg10[%swap3A, %swap3A_207], %swap3A_210 {strides = array<i32>} : memref<64x272xf32, #tpu.memory_space<vmem>>, vector<1x16xf32>,
      %swap3A_211 = arith.index_cast %add3A_163 : i32 to index
      %swap3A_212 = arith.constant 16 : index
      %swap3A_213 = tpu.vector_load %arg10[%swap3A_211, %swap3A_212] {strides = array<i32>} : memref<64x272xf32, #tpu.memory_space<vmem>>, vector<1x16xf32>,
      %swap3A_214 = vector.shape_cast %swap3A_213 : vector<1x16xf32> to vector<16xf32>
      %swap3A_215 = vector.shape_cast %scan3A_205#2 : vector<16xf32> to vector<1x16xf32>
      tpu.vector_store %arg10[%swap3A_211, %swap3A_212], %swap3A_215 {strides = array<i32>} : memref<64x272xf32, #tpu.memory_space<vmem>>, vector<1x16xf32>,
      %swap3A_216 = arith.index_cast %add3A_163 : i32 to index
      %swap3A_217 = arith.constant 32 : index
      %swap3A_218 = tpu.vector_load %arg10[%swap3A_216, %swap3A_217] {strides = array<i32>} : memref<64x272xf32, #tpu.memory_space<vmem>>, vector<1x16xf32>,
      %swap3A_219 = vector.shape_cast %swap3A_218 : vector<1x16xf32> to vector<16xf32>
      %swap3A_220 = vector.shape_cast %scan3A_205#3 : vector<16xf32> to vector<1x16xf32>
      tpu.vector_store %arg10[%swap3A_216, %swap3A_217], %swap3A_220 {strides = array<i32>} : memref<64x272xf32, #tpu.memory_space<vmem>>, vector<1x16xf32>,
      %swap3A_221 = arith.index_cast %add3A_163 : i32 to index
      %swap3A_222 = arith.constant 48 : index
      %swap3A_223 = tpu.vector_load %arg10[%swap3A_221, %swap3A_222] {strides = array<i32>} : memref<64x272xf32, #tpu.memory_space<vmem>>, vector<1x16xf32>,
      %swap3A_224 = vector.shape_cast %swap3A_223 : vector<1x16xf32> to vector<16xf32>
      %swap3A_225 = vector.shape_cast %scan3A_205#4 : vector<16xf32> to vector<1x16xf32>
      tpu.vector_store %arg10[%swap3A_221, %swap3A_222], %swap3A_225 {strides = array<i32>} : memref<64x272xf32, #tpu.memory_space<vmem>>, vector<1x16xf32>,
      %swap3A_226 = arith.index_cast %add3A_163 : i32 to index
      %swap3A_227 = arith.constant 64 : index
      %swap3A_228 = tpu.vector_load %arg10[%swap3A_226, %swap3A_227] {strides = array<i32>} : memref<64x272xf32, #tpu.memory_space<vmem>>, vector<1x16xf32>,
      %swap3A_229 = vector.shape_cast %swap3A_228 : vector<1x16xf32> to vector<16xf32>
      %swap3A_230 = vector.shape_cast %scan3A_205#5 : vector<16xf32> to vector<1x16xf32>
      tpu.vector_store %arg10[%swap3A_226, %swap3A_227], %swap3A_230 {strides = array<i32>} : memref<64x272xf32, #tpu.memory_space<vmem>>, vector<1x16xf32>,
      %swap3A_231 = arith.index_cast %add3A_163 : i32 to index
      %swap3A_232 = arith.constant 80 : index
      %swap3A_233 = tpu.vector_load %arg10[%swap3A_231, %swap3A_232] {strides = array<i32>} : memref<64x272xf32, #tpu.memory_space<vmem>>, vector<1x16xf32>,
      %swap3A_234 = vector.shape_cast %swap3A_233 : vector<1x16xf32> to vector<16xf32>
      %swap3A_235 = vector.shape_cast %scan3A_205#6 : vector<16xf32> to vector<1x16xf32>
      tpu.vector_store %arg10[%swap3A_231, %swap3A_232], %swap3A_235 {strides = array<i32>} : memref<64x272xf32, #tpu.memory_space<vmem>>, vector<1x16xf32>,
      %swap3A_236 = arith.index_cast %add3A_163 : i32 to index
      %swap3A_237 = arith.constant 96 : index
      %swap3A_238 = tpu.vector_load %arg10[%swap3A_236, %swap3A_237] {strides = array<i32>} : memref<64x272xf32, #tpu.memory_space<vmem>>, vector<1x16xf32>,
      %swap3A_239 = vector.shape_cast %swap3A_238 : vector<1x16xf32> to vector<16xf32>
      %swap3A_240 = vector.shape_cast %scan3A_205#7 : vector<16xf32> to vector<1x16xf32>
      tpu.vector_store %arg10[%swap3A_236, %swap3A_237], %swap3A_240 {strides = array<i32>} : memref<64x272xf32, #tpu.memory_space<vmem>>, vector<1x16xf32>,
      %swap3A_241 = arith.index_cast %add3A_163 : i32 to index
      %swap3A_242 = arith.constant 112 : index
      %swap3A_243 = tpu.vector_load %arg10[%swap3A_241, %swap3A_242] {strides = array<i32>} : memref<64x272xf32, #tpu.memory_space<vmem>>, vector<1x16xf32>,
      %swap3A_244 = vector.shape_cast %swap3A_243 : vector<1x16xf32> to vector<16xf32>
      %swap3A_245 = vector.shape_cast %scan3A_205#8 : vector<16xf32> to vector<1x16xf32>
      tpu.vector_store %arg10[%swap3A_241, %swap3A_242], %swap3A_245 {strides = array<i32>} : memref<64x272xf32, #tpu.memory_space<vmem>>, vector<1x16xf32>,
      %swap3A_246 = arith.index_cast %add3A_163 : i32 to index
      %swap3A_247 = arith.constant 128 : index
      %swap3A_248 = tpu.vector_load %arg10[%swap3A_246, %swap3A_247] {strides = array<i32>} : memref<64x272xf32, #tpu.memory_space<vmem>>, vector<1x16xf32>,
      %swap3A_249 = vector.shape_cast %swap3A_248 : vector<1x16xf32> to vector<16xf32>
      %swap3A_250 = vector.shape_cast %scan3A_205#9 : vector<16xf32> to vector<1x16xf32>
      tpu.vector_store %arg10[%swap3A_246, %swap3A_247], %swap3A_250 {strides = array<i32>} : memref<64x272xf32, #tpu.memory_space<vmem>>, vector<1x16xf32>,
      %swap3A_251 = arith.index_cast %add3A_163 : i32 to index
      %swap3A_252 = arith.constant 144 : index
      %swap3A_253 = tpu.vector_load %arg10[%swap3A_251, %swap3A_252] {strides = array<i32>} : memref<64x272xf32, #tpu.memory_space<vmem>>, vector<1x16xf32>,
      %swap3A_254 = vector.shape_cast %swap3A_253 : vector<1x16xf32> to vector<16xf32>
      %swap3A_255 = vector.shape_cast %scan3A_205#10 : vector<16xf32> to vector<1x16xf32>
      tpu.vector_store %arg10[%swap3A_251, %swap3A_252], %swap3A_255 {strides = array<i32>} : memref<64x272xf32, #tpu.memory_space<vmem>>, vector<1x16xf32>,
      %swap3A_256 = arith.index_cast %add3A_163 : i32 to index
      %swap3A_257 = arith.constant 160 : index
      %swap3A_258 = tpu.vector_load %arg10[%swap3A_256, %swap3A_257] {strides = array<i32>} : memref<64x272xf32, #tpu.memory_space<vmem>>, vector<1x16xf32>,
      %swap3A_259 = vector.shape_cast %swap3A_258 : vector<1x16xf32> to vector<16xf32>
      %swap3A_260 = vector.shape_cast %scan3A_205#11 : vector<16xf32> to vector<1x16xf32>
      tpu.vector_store %arg10[%swap3A_256, %swap3A_257], %swap3A_260 {strides = array<i32>} : memref<64x272xf32, #tpu.memory_space<vmem>>, vector<1x16xf32>,
      %swap3A_261 = arith.index_cast %add3A_163 : i32 to index
      %swap3A_262 = arith.constant 176 : index
      %swap3A_263 = tpu.vector_load %arg10[%swap3A_261, %swap3A_262] {strides = array<i32>} : memref<64x272xf32, #tpu.memory_space<vmem>>, vector<1x16xf32>,
      %swap3A_264 = vector.shape_cast %swap3A_263 : vector<1x16xf32> to vector<16xf32>
      %swap3A_265 = vector.shape_cast %scan3A_205#12 : vector<16xf32> to vector<1x16xf32>
      tpu.vector_store %arg10[%swap3A_261, %swap3A_262], %swap3A_265 {strides = array<i32>} : memref<64x272xf32, #tpu.memory_space<vmem>>, vector<1x16xf32>,
      %swap3A_266 = arith.index_cast %add3A_163 : i32 to index
      %swap3A_267 = arith.constant 192 : index
      %swap3A_268 = tpu.vector_load %arg10[%swap3A_266, %swap3A_267] {strides = array<i32>} : memref<64x272xf32, #tpu.memory_space<vmem>>, vector<1x16xf32>,
      %swap3A_269 = vector.shape_cast %swap3A_268 : vector<1x16xf32> to vector<16xf32>
      %swap3A_270 = vector.shape_cast %scan3A_205#13 : vector<16xf32> to vector<1x16xf32>
      tpu.vector_store %arg10[%swap3A_266, %swap3A_267], %swap3A_270 {strides = array<i32>} : memref<64x272xf32, #tpu.memory_space<vmem>>, vector<1x16xf32>,
      %swap3A_271 = arith.index_cast %add3A_163 : i32 to index
      %swap3A_272 = arith.constant 208 : index
      %swap3A_273 = tpu.vector_load %arg10[%swap3A_271, %swap3A_272] {strides = array<i32>} : memref<64x272xf32, #tpu.memory_space<vmem>>, vector<1x16xf32>,
      %swap3A_274 = vector.shape_cast %swap3A_273 : vector<1x16xf32> to vector<16xf32>
      %swap3A_275 = vector.shape_cast %scan3A_205#14 : vector<16xf32> to vector<1x16xf32>
      tpu.vector_store %arg10[%swap3A_271, %swap3A_272], %swap3A_275 {strides = array<i32>} : memref<64x272xf32, #tpu.memory_space<vmem>>, vector<1x16xf32>,
      %swap3A_276 = arith.index_cast %add3A_163 : i32 to index
      %swap3A_277 = arith.constant 224 : index
      %swap3A_278 = tpu.vector_load %arg10[%swap3A_276, %swap3A_277] {strides = array<i32>} : memref<64x272xf32, #tpu.memory_space<vmem>>, vector<1x16xf32>,
      %swap3A_279 = vector.shape_cast %swap3A_278 : vector<1x16xf32> to vector<16xf32>
      %swap3A_280 = vector.shape_cast %scan3A_205#15 : vector<16xf32> to vector<1x16xf32>
      tpu.vector_store %arg10[%swap3A_276, %swap3A_277], %swap3A_280 {strides = array<i32>} : memref<64x272xf32, #tpu.memory_space<vmem>>, vector<1x16xf32>,
      %swap3A_281 = arith.index_cast %add3A_163 : i32 to index
      %swap3A_282 = arith.constant 240 : index
      %swap3A_283 = tpu.vector_load %arg10[%swap3A_281, %swap3A_282] {strides = array<i32>} : memref<64x272xf32, #tpu.memory_space<vmem>>, vector<1x16xf32>,
      %swap3A_284 = vector.shape_cast %swap3A_283 : vector<1x16xf32> to vector<16xf32>
      %swap3A_285 = vector.shape_cast %scan3A_205#16 : vector<16xf32> to vector<1x16xf32>
      tpu.vector_store %arg10[%swap3A_281, %swap3A_282], %swap3A_285 {strides = array<i32>} : memref<64x272xf32, #tpu.memory_space<vmem>>, vector<1x16xf32>,
      %swap3A_286 = arith.index_cast %add3A_163 : i32 to index
      %swap3A_287 = arith.constant 256 : index
      %swap3A_288 = tpu.vector_load %arg10[%swap3A_286, %swap3A_287] {strides = array<i32>} : memref<64x272xf32, #tpu.memory_space<vmem>>, vector<1x16xf32>,
      %swap3A_289 = vector.shape_cast %swap3A_288 : vector<1x16xf32> to vector<16xf32>
      %swap3A_290 = vector.shape_cast %scan3A_205#0 : vector<16xf32> to vector<1x16xf32>
      tpu.vector_store %arg10[%swap3A_286, %swap3A_287], %swap3A_290 {strides = array<i32>} : memref<64x272xf32, #tpu.memory_space<vmem>>, vector<1x16xf32>,
      %dma_start3A_291 = arith.constant 0 : i32
      %dma_start3A_292 = arith.constant 0 : i32
      %dma_start3A_293 = arith.constant 0 : i32
      %dma_start3A_294 = arith.constant 0 : i32
      %dma_start3A_295 = tpu.memref_slice %arg7[%dma_start3A_291, %dma_start3A_293, %dma_start3A_294] : memref<2x16x1024xf32, #tpu.memory_space<vmem>> -> memref<1x16x1024xf32, #tpu.memory_space<vmem>>
      %dma_start3A_296 = tpu.memref_squeeze %dma_start3A_295 : memref<1x16x1024xf32, #tpu.memory_space<vmem>> -> memref<16x1024xf32, #tpu.memory_space<vmem>>
      %dma_start3A_297 = arith.constant 0 : i32
      %dma_start3A_298 = arith.constant 0 : i32
      %dma_start3A_299 = tpu.memref_slice %arg5[%add3A_159, %dma_start3A_297, %dma_start3A_298] : memref<2048x16x1024xf32, #tpu.memory_space<hbm>> -> memref<1x16x1024xf32, #tpu.memory_space<hbm>>
      %dma_start3A_300 = tpu.memref_squeeze %dma_start3A_299 : memref<1x16x1024xf32, #tpu.memory_space<hbm>> -> memref<16x1024xf32, #tpu.memory_space<hbm>>
      %dma_start3A_301 = tpu.memref_slice %arg13[%dma_start3A_292] : memref<2x!tpu.dma_semaphore, #tpu.memory_space<semaphore_mem>> -> memref<1x!tpu.dma_semaphore, #tpu.memory_space<semaphore_mem>>
      %dma_start3A_302 = tpu.memref_squeeze %dma_start3A_301 : memref<1x!tpu.dma_semaphore, #tpu.memory_space<semaphore_mem>> -> memref<!tpu.dma_semaphore, #tpu.memory_space<semaphore_mem>>
      %dma_start3A_303 = arith.constant 0 : i32
      %dma_start3A_304 = arith.constant 0 : i32
      %dma_start3A_305 = tpu.memref_slice %arg5[%add3A_159, %dma_start3A_303, %dma_start3A_304] : memref<2048x16x1024xf32, #tpu.memory_space<hbm>> -> memref<1x16x1024xf32, #tpu.memory_space<hbm>>
      %dma_start3A_306 = tpu.memref_squeeze %dma_start3A_305 : memref<1x16x1024xf32, #tpu.memory_space<hbm>> -> memref<16x1024xf32, #tpu.memory_space<hbm>>
      %dma_start3A_307 = arith.constant 0 : i32
      %dma_start3A_308 = arith.constant 0 : i32
      %dma_start3A_309 = tpu.memref_slice %arg7[%dma_start3A_291, %dma_start3A_307, %dma_start3A_308] : memref<2x16x1024xf32, #tpu.memory_space<vmem>> -> memref<1x16x1024xf32, #tpu.memory_space<vmem>>
      %dma_start3A_310 = tpu.memref_squeeze %dma_start3A_309 : memref<1x16x1024xf32, #tpu.memory_space<vmem>> -> memref<16x1024xf32, #tpu.memory_space<vmem>>
      tpu.enqueue_dma source(%dma_start3A_310 : memref<16x1024xf32, #tpu.memory_space<vmem>>) target(%dma_start3A_306 : memref<16x1024xf32, #tpu.memory_space<hbm>>) target_semaphore(%dma_start3A_302 : memref<!tpu.dma_semaphore, #tpu.memory_space<semaphore_mem>>)
      %add3A_311 = arith.constant 1 : i32
      %add3A_312 = arith.addi %add3A_157, %add3A_311 : i32
      %mul3A_313 = arith.constant 2 : i32
      %mul3A_314 = arith.muli %scan3A_154, %mul3A_313 : i32
      %add3A_315 = arith.constant 1 : i32
      %add3A_316 = arith.addi %mul3A_314, %add3A_315 : i32
      %dma_wait3A_317 = arith.constant 1 : i32
      %dma_wait3A_318 = arith.constant 1 : i32
      %dma_wait3A_319 = arith.constant 0 : i32
      %dma_wait3A_320 = arith.constant 0 : i32
      %dma_wait3A_321 = tpu.memref_slice %arg7[%dma_wait3A_317, %dma_wait3A_319, %dma_wait3A_320] : memref<2x16x1024xf32, #tpu.memory_space<vmem>> -> memref<1x16x1024xf32, #tpu.memory_space<vmem>>
      %dma_wait3A_322 = tpu.memref_squeeze %dma_wait3A_321 : memref<1x16x1024xf32, #tpu.memory_space<vmem>> -> memref<16x1024xf32, #tpu.memory_space<vmem>>
      %dma_wait3A_323 = arith.constant 0 : i32
      %dma_wait3A_324 = arith.constant 0 : i32
      %dma_wait3A_325 = tpu.memref_slice %arg3[%add3A_312, %dma_wait3A_323, %dma_wait3A_324] : memref<2048x16x1024xf32, #tpu.memory_space<hbm>> -> memref<1x16x1024xf32, #tpu.memory_space<hbm>>
      %dma_wait3A_326 = tpu.memref_squeeze %dma_wait3A_325 : memref<1x16x1024xf32, #tpu.memory_space<hbm>> -> memref<16x1024xf32, #tpu.memory_space<hbm>>
      %dma_wait3A_327 = tpu.memref_slice %arg11[%dma_wait3A_318] : memref<2x!tpu.dma_semaphore, #tpu.memory_space<semaphore_mem>> -> memref<1x!tpu.dma_semaphore, #tpu.memory_space<semaphore_mem>>
      %dma_wait3A_328 = tpu.memref_squeeze %dma_wait3A_327 : memref<1x!tpu.dma_semaphore, #tpu.memory_space<semaphore_mem>> -> memref<!tpu.dma_semaphore, #tpu.memory_space<semaphore_mem>>
      %dma_wait3A_329 = arith.constant 0 : i32
      %dma_wait3A_330 = arith.constant 0 : i32
      %dma_wait3A_331 = tpu.memref_slice %arg7[%dma_wait3A_317, %dma_wait3A_329, %dma_wait3A_330] : memref<2x16x1024xf32, #tpu.memory_space<vmem>> -> memref<1x16x1024xf32, #tpu.memory_space<vmem>>
      %dma_wait3A_332 = tpu.memref_squeeze %dma_wait3A_331 : memref<1x16x1024xf32, #tpu.memory_space<vmem>> -> memref<16x1024xf32, #tpu.memory_space<vmem>>
      %dma_wait3A_333 = arith.constant 0 : i32
      %dma_wait3A_334 = arith.constant 0 : i32
      %dma_wait3A_335 = tpu.memref_slice %arg3[%add3A_312, %dma_wait3A_333, %dma_wait3A_334] : memref<2048x16x1024xf32, #tpu.memory_space<hbm>> -> memref<1x16x1024xf32, #tpu.memory_space<hbm>>
      %dma_wait3A_336 = tpu.memref_squeeze %dma_wait3A_335 : memref<1x16x1024xf32, #tpu.memory_space<hbm>> -> memref<16x1024xf32, #tpu.memory_space<hbm>>
      tpu.wait_dma2 semaphore(%dma_wait3A_328 : memref<!tpu.dma_semaphore, #tpu.memory_space<semaphore_mem>>) src(%dma_wait3A_336 : memref<16x1024xf32, #tpu.memory_space<hbm>>) dst(%dma_wait3A_332 : memref<16x1024xf32, #tpu.memory_space<vmem>>)
      %dma_wait3A_337 = arith.constant 1 : i32
      %dma_wait3A_338 = arith.constant 1 : i32
      %dma_wait3A_339 = arith.constant 0 : i32
      %dma_wait3A_340 = tpu.memref_slice %arg8[%dma_wait3A_337, %dma_wait3A_339] : memref<2x1024xf32, #tpu.memory_space<vmem>> -> memref<1x1024xf32, #tpu.memory_space<vmem>>
      %dma_wait3A_341 = tpu.memref_squeeze %dma_wait3A_340 : memref<1x1024xf32, #tpu.memory_space<vmem>> -> memref<1024xf32, #tpu.memory_space<vmem>>
      %dma_wait3A_342 = arith.constant 0 : i32
      %dma_wait3A_343 = tpu.memref_slice %arg2[%add3A_312, %dma_wait3A_342] : memref<2048x1024xf32, #tpu.memory_space<hbm>> -> memref<1x1024xf32, #tpu.memory_space<hbm>>
      %dma_wait3A_344 = tpu.memref_squeeze %dma_wait3A_343 : memref<1x1024xf32, #tpu.memory_space<hbm>> -> memref<1024xf32, #tpu.memory_space<hbm>>
      %dma_wait3A_345 = tpu.memref_slice %arg12[%dma_wait3A_338] : memref<2x!tpu.dma_semaphore, #tpu.memory_space<semaphore_mem>> -> memref<1x!tpu.dma_semaphore, #tpu.memory_space<semaphore_mem>>
      %dma_wait3A_346 = tpu.memref_squeeze %dma_wait3A_345 : memref<1x!tpu.dma_semaphore, #tpu.memory_space<semaphore_mem>> -> memref<!tpu.dma_semaphore, #tpu.memory_space<semaphore_mem>>
      %dma_wait3A_347 = arith.constant 0 : i32
      %dma_wait3A_348 = tpu.memref_slice %arg8[%dma_wait3A_337, %dma_wait3A_347] : memref<2x1024xf32, #tpu.memory_space<vmem>> -> memref<1x1024xf32, #tpu.memory_space<vmem>>
      %dma_wait3A_349 = tpu.memref_squeeze %dma_wait3A_348 : memref<1x1024xf32, #tpu.memory_space<vmem>> -> memref<1024xf32, #tpu.memory_space<vmem>>
      %dma_wait3A_350 = arith.constant 0 : i32
      %dma_wait3A_351 = tpu.memref_slice %arg2[%add3A_312, %dma_wait3A_350] : memref<2048x1024xf32, #tpu.memory_space<hbm>> -> memref<1x1024xf32, #tpu.memory_space<hbm>>
      %dma_wait3A_352 = tpu.memref_squeeze %dma_wait3A_351 : memref<1x1024xf32, #tpu.memory_space<hbm>> -> memref<1024xf32, #tpu.memory_space<hbm>>
      tpu.wait_dma2 semaphore(%dma_wait3A_346 : memref<!tpu.dma_semaphore, #tpu.memory_space<semaphore_mem>>) src(%dma_wait3A_352 : memref<1024xf32, #tpu.memory_space<hbm>>) dst(%dma_wait3A_349 : memref<1024xf32, #tpu.memory_space<vmem>>)
      %broadcast_in_dim3A_353 = arith.constant 0.000000e+00 : f32
      %broadcast_in_dim3A_354 = vector.broadcast %broadcast_in_dim3A_353 : f32 to vector<16xf32>
      %scan3A_355 = arith.constant 0 : i32
      %scan3A_356 = arith.constant 64 : i32
      %scan3A_357 = arith.addi %scan3A_355, %scan3A_356 : i32
      %scan3A_358 = arith.constant 1 : i32
      %scan3A_359:17 = scf.for %scan3A_470 = %scan3A_355 to %scan3A_357 step %scan3A_358 iter_args(%scan3A_471 = %broadcast_in_dim3A_354, %scan3A_472 = %broadcast_in_dim3A_354, %scan3A_473 = %broadcast_in_dim3A_354, %scan3A_474 = %broadcast_in_dim3A_354, %scan3A_475 = %broadcast_in_dim3A_354, %scan3A_476 = %broadcast_in_dim3A_354, %scan3A_477 = %broadcast_in_dim3A_354, %scan3A_478 = %broadcast_in_dim3A_354, %scan3A_479 = %broadcast_in_dim3A_354, %scan3A_480 = %broadcast_in_dim3A_354, %scan3A_481 = %broadcast_in_dim3A_354, %scan3A_482 = %broadcast_in_dim3A_354, %scan3A_483 = %broadcast_in_dim3A_354, %scan3A_484 = %broadcast_in_dim3A_354, %scan3A_485 = %broadcast_in_dim3A_354, %scan3A_486 = %broadcast_in_dim3A_354, %scan3A_487 = %broadcast_in_dim3A_354) -> (vector<16xf32>, vector<16xf32>, vector<16xf32>, vector<16xf32>, vector<16xf32>, vector<16xf32>, vector<16xf32>, vector<16xf32>, vector<16xf32>, vector<16xf32>, vector<16xf32>, vector<16xf32>, vector<16xf32>, vector<16xf32>, vector<16xf32>, vector<16xf32>, vector<16xf32>)  : i32 {
        %mul3A_488 = arith.constant 16 : i32
        %mul3A_489 = arith.muli %scan3A_470, %mul3A_488 : i32
        %get3A = arith.constant 1 : i32
        %get3A_490 = arith.index_cast %get3A : i32 to index
        %get3A_491 = arith.index_cast %mul3A_489 : i32 to index
        %get3A_492 = tpu.vector_load %arg8[%get3A_490, %get3A_491] {strides = array<i32>} : memref<2x1024xf32, #tpu.memory_space<vmem>>, vector<1x16xf32>,
        %get3A_493 = vector.shape_cast %get3A_492 : vector<1x16xf32> to vector<16xf32>
        %add3A_494 = arith.addf %scan3A_471, %get3A_493 : vector<16xf32>
        %get3A_495 = arith.constant 1 : i32
        %get3A_496 = arith.constant 0 : i32
        %get3A_497 = arith.index_cast %get3A_495 : i32 to index
        %get3A_498 = arith.index_cast %get3A_496 : i32 to index
        %get3A_499 = arith.index_cast %mul3A_489 : i32 to index
        %get3A_500 = tpu.vector_load %arg7[%get3A_497, %get3A_498, %get3A_499] {strides = array<i32>} : memref<2x16x1024xf32, #tpu.memory_space<vmem>>, vector<1x1x16xf32>,
        %get3A_501 = vector.shape_cast %get3A_500 : vector<1x1x16xf32> to vector<16xf32>
        %get3A_502 = arith.constant 0 : i32
        %get3A_503 = arith.index_cast %get3A_502 : i32 to index
        %get3A_504 = arith.index_cast %mul3A_489 : i32 to index
        %get3A_505 = tpu.vector_load %arg9[%get3A_503, %get3A_504] {strides = array<i32>} : memref<16x1024xf32, #tpu.memory_space<vmem>>, vector<1x16xf32>,
        %get3A_506 = vector.shape_cast %get3A_505 : vector<1x16xf32> to vector<16xf32>
        %mul3A_507 = arith.mulf %get3A_493, %get3A_501 : vector<16xf32>
        %mul3A_508 = arith.mulf %mul3A_507, %get3A_506 : vector<16xf32>
        %add3A_509 = arith.addf %scan3A_472, %mul3A_508 : vector<16xf32>
        %get3A_510 = arith.constant 1 : i32
        %get3A_511 = arith.constant 1 : i32
        %get3A_512 = arith.index_cast %get3A_510 : i32 to index
        %get3A_513 = arith.index_cast %get3A_511 : i32 to index
        %get3A_514 = arith.index_cast %mul3A_489 : i32 to index
        %get3A_515 = tpu.vector_load %arg7[%get3A_512, %get3A_513, %get3A_514] {strides = array<i32>} : memref<2x16x1024xf32, #tpu.memory_space<vmem>>, vector<1x1x16xf32>,
        %get3A_516 = vector.shape_cast %get3A_515 : vector<1x1x16xf32> to vector<16xf32>
        %get3A_517 = arith.constant 1 : i32
        %get3A_518 = arith.index_cast %get3A_517 : i32 to index
        %get3A_519 = arith.index_cast %mul3A_489 : i32 to index
        %get3A_520 = tpu.vector_load %arg9[%get3A_518, %get3A_519] {strides = array<i32>} : memref<16x1024xf32, #tpu.memory_space<vmem>>, vector<1x16xf32>,
        %get3A_521 = vector.shape_cast %get3A_520 : vector<1x16xf32> to vector<16xf32>
        %mul3A_522 = arith.mulf %get3A_493, %get3A_516 : vector<16xf32>
        %mul3A_523 = arith.mulf %mul3A_522, %get3A_521 : vector<16xf32>
        %add3A_524 = arith.addf %scan3A_473, %mul3A_523 : vector<16xf32>
        %get3A_525 = arith.constant 1 : i32
        %get3A_526 = arith.constant 2 : i32
        %get3A_527 = arith.index_cast %get3A_525 : i32 to index
        %get3A_528 = arith.index_cast %get3A_526 : i32 to index
        %get3A_529 = arith.index_cast %mul3A_489 : i32 to index
        %get3A_530 = tpu.vector_load %arg7[%get3A_527, %get3A_528, %get3A_529] {strides = array<i32>} : memref<2x16x1024xf32, #tpu.memory_space<vmem>>, vector<1x1x16xf32>,
        %get3A_531 = vector.shape_cast %get3A_530 : vector<1x1x16xf32> to vector<16xf32>
        %get3A_532 = arith.constant 2 : i32
        %get3A_533 = arith.index_cast %get3A_532 : i32 to index
        %get3A_534 = arith.index_cast %mul3A_489 : i32 to index
        %get3A_535 = tpu.vector_load %arg9[%get3A_533, %get3A_534] {strides = array<i32>} : memref<16x1024xf32, #tpu.memory_space<vmem>>, vector<1x16xf32>,
        %get3A_536 = vector.shape_cast %get3A_535 : vector<1x16xf32> to vector<16xf32>
        %mul3A_537 = arith.mulf %get3A_493, %get3A_531 : vector<16xf32>
        %mul3A_538 = arith.mulf %mul3A_537, %get3A_536 : vector<16xf32>
        %add3A_539 = arith.addf %scan3A_474, %mul3A_538 : vector<16xf32>
        %get3A_540 = arith.constant 1 : i32
        %get3A_541 = arith.constant 3 : i32
        %get3A_542 = arith.index_cast %get3A_540 : i32 to index
        %get3A_543 = arith.index_cast %get3A_541 : i32 to index
        %get3A_544 = arith.index_cast %mul3A_489 : i32 to index
        %get3A_545 = tpu.vector_load %arg7[%get3A_542, %get3A_543, %get3A_544] {strides = array<i32>} : memref<2x16x1024xf32, #tpu.memory_space<vmem>>, vector<1x1x16xf32>,
        %get3A_546 = vector.shape_cast %get3A_545 : vector<1x1x16xf32> to vector<16xf32>
        %get3A_547 = arith.constant 3 : i32
        %get3A_548 = arith.index_cast %get3A_547 : i32 to index
        %get3A_549 = arith.index_cast %mul3A_489 : i32 to index
        %get3A_550 = tpu.vector_load %arg9[%get3A_548, %get3A_549] {strides = array<i32>} : memref<16x1024xf32, #tpu.memory_space<vmem>>, vector<1x16xf32>,
        %get3A_551 = vector.shape_cast %get3A_550 : vector<1x16xf32> to vector<16xf32>
        %mul3A_552 = arith.mulf %get3A_493, %get3A_546 : vector<16xf32>
        %mul3A_553 = arith.mulf %mul3A_552, %get3A_551 : vector<16xf32>
        %add3A_554 = arith.addf %scan3A_475, %mul3A_553 : vector<16xf32>
        %get3A_555 = arith.constant 1 : i32
        %get3A_556 = arith.constant 4 : i32
        %get3A_557 = arith.index_cast %get3A_555 : i32 to index
        %get3A_558 = arith.index_cast %get3A_556 : i32 to index
        %get3A_559 = arith.index_cast %mul3A_489 : i32 to index
        %get3A_560 = tpu.vector_load %arg7[%get3A_557, %get3A_558, %get3A_559] {strides = array<i32>} : memref<2x16x1024xf32, #tpu.memory_space<vmem>>, vector<1x1x16xf32>,
        %get3A_561 = vector.shape_cast %get3A_560 : vector<1x1x16xf32> to vector<16xf32>
        %get3A_562 = arith.constant 4 : i32
        %get3A_563 = arith.index_cast %get3A_562 : i32 to index
        %get3A_564 = arith.index_cast %mul3A_489 : i32 to index
        %get3A_565 = tpu.vector_load %arg9[%get3A_563, %get3A_564] {strides = array<i32>} : memref<16x1024xf32, #tpu.memory_space<vmem>>, vector<1x16xf32>,
        %get3A_566 = vector.shape_cast %get3A_565 : vector<1x16xf32> to vector<16xf32>
        %mul3A_567 = arith.mulf %get3A_493, %get3A_561 : vector<16xf32>
        %mul3A_568 = arith.mulf %mul3A_567, %get3A_566 : vector<16xf32>
        %add3A_569 = arith.addf %scan3A_476, %mul3A_568 : vector<16xf32>
        %get3A_570 = arith.constant 1 : i32
        %get3A_571 = arith.constant 5 : i32
        %get3A_572 = arith.index_cast %get3A_570 : i32 to index
        %get3A_573 = arith.index_cast %get3A_571 : i32 to index
        %get3A_574 = arith.index_cast %mul3A_489 : i32 to index
        %get3A_575 = tpu.vector_load %arg7[%get3A_572, %get3A_573, %get3A_574] {strides = array<i32>} : memref<2x16x1024xf32, #tpu.memory_space<vmem>>, vector<1x1x16xf32>,
        %get3A_576 = vector.shape_cast %get3A_575 : vector<1x1x16xf32> to vector<16xf32>
        %get3A_577 = arith.constant 5 : i32
        %get3A_578 = arith.index_cast %get3A_577 : i32 to index
        %get3A_579 = arith.index_cast %mul3A_489 : i32 to index
        %get3A_580 = tpu.vector_load %arg9[%get3A_578, %get3A_579] {strides = array<i32>} : memref<16x1024xf32, #tpu.memory_space<vmem>>, vector<1x16xf32>,
        %get3A_581 = vector.shape_cast %get3A_580 : vector<1x16xf32> to vector<16xf32>
        %mul3A_582 = arith.mulf %get3A_493, %get3A_576 : vector<16xf32>
        %mul3A_583 = arith.mulf %mul3A_582, %get3A_581 : vector<16xf32>
        %add3A_584 = arith.addf %scan3A_477, %mul3A_583 : vector<16xf32>
        %get3A_585 = arith.constant 1 : i32
        %get3A_586 = arith.constant 6 : i32
        %get3A_587 = arith.index_cast %get3A_585 : i32 to index
        %get3A_588 = arith.index_cast %get3A_586 : i32 to index
        %get3A_589 = arith.index_cast %mul3A_489 : i32 to index
        %get3A_590 = tpu.vector_load %arg7[%get3A_587, %get3A_588, %get3A_589] {strides = array<i32>} : memref<2x16x1024xf32, #tpu.memory_space<vmem>>, vector<1x1x16xf32>,
        %get3A_591 = vector.shape_cast %get3A_590 : vector<1x1x16xf32> to vector<16xf32>
        %get3A_592 = arith.constant 6 : i32
        %get3A_593 = arith.index_cast %get3A_592 : i32 to index
        %get3A_594 = arith.index_cast %mul3A_489 : i32 to index
        %get3A_595 = tpu.vector_load %arg9[%get3A_593, %get3A_594] {strides = array<i32>} : memref<16x1024xf32, #tpu.memory_space<vmem>>, vector<1x16xf32>,
        %get3A_596 = vector.shape_cast %get3A_595 : vector<1x16xf32> to vector<16xf32>
        %mul3A_597 = arith.mulf %get3A_493, %get3A_591 : vector<16xf32>
        %mul3A_598 = arith.mulf %mul3A_597, %get3A_596 : vector<16xf32>
        %add3A_599 = arith.addf %scan3A_478, %mul3A_598 : vector<16xf32>
        %get3A_600 = arith.constant 1 : i32
        %get3A_601 = arith.constant 7 : i32
        %get3A_602 = arith.index_cast %get3A_600 : i32 to index
        %get3A_603 = arith.index_cast %get3A_601 : i32 to index
        %get3A_604 = arith.index_cast %mul3A_489 : i32 to index
        %get3A_605 = tpu.vector_load %arg7[%get3A_602, %get3A_603, %get3A_604] {strides = array<i32>} : memref<2x16x1024xf32, #tpu.memory_space<vmem>>, vector<1x1x16xf32>,
        %get3A_606 = vector.shape_cast %get3A_605 : vector<1x1x16xf32> to vector<16xf32>
        %get3A_607 = arith.constant 7 : i32
        %get3A_608 = arith.index_cast %get3A_607 : i32 to index
        %get3A_609 = arith.index_cast %mul3A_489 : i32 to index
        %get3A_610 = tpu.vector_load %arg9[%get3A_608, %get3A_609] {strides = array<i32>} : memref<16x1024xf32, #tpu.memory_space<vmem>>, vector<1x16xf32>,
        %get3A_611 = vector.shape_cast %get3A_610 : vector<1x16xf32> to vector<16xf32>
        %mul3A_612 = arith.mulf %get3A_493, %get3A_606 : vector<16xf32>
        %mul3A_613 = arith.mulf %mul3A_612, %get3A_611 : vector<16xf32>
        %add3A_614 = arith.addf %scan3A_479, %mul3A_613 : vector<16xf32>
        %get3A_615 = arith.constant 1 : i32
        %get3A_616 = arith.constant 8 : i32
        %get3A_617 = arith.index_cast %get3A_615 : i32 to index
        %get3A_618 = arith.index_cast %get3A_616 : i32 to index
        %get3A_619 = arith.index_cast %mul3A_489 : i32 to index
        %get3A_620 = tpu.vector_load %arg7[%get3A_617, %get3A_618, %get3A_619] {strides = array<i32>} : memref<2x16x1024xf32, #tpu.memory_space<vmem>>, vector<1x1x16xf32>,
        %get3A_621 = vector.shape_cast %get3A_620 : vector<1x1x16xf32> to vector<16xf32>
        %get3A_622 = arith.constant 8 : i32
        %get3A_623 = arith.index_cast %get3A_622 : i32 to index
        %get3A_624 = arith.index_cast %mul3A_489 : i32 to index
        %get3A_625 = tpu.vector_load %arg9[%get3A_623, %get3A_624] {strides = array<i32>} : memref<16x1024xf32, #tpu.memory_space<vmem>>, vector<1x16xf32>,
        %get3A_626 = vector.shape_cast %get3A_625 : vector<1x16xf32> to vector<16xf32>
        %mul3A_627 = arith.mulf %get3A_493, %get3A_621 : vector<16xf32>
        %mul3A_628 = arith.mulf %mul3A_627, %get3A_626 : vector<16xf32>
        %add3A_629 = arith.addf %scan3A_480, %mul3A_628 : vector<16xf32>
        %get3A_630 = arith.constant 1 : i32
        %get3A_631 = arith.constant 9 : i32
        %get3A_632 = arith.index_cast %get3A_630 : i32 to index
        %get3A_633 = arith.index_cast %get3A_631 : i32 to index
        %get3A_634 = arith.index_cast %mul3A_489 : i32 to index
        %get3A_635 = tpu.vector_load %arg7[%get3A_632, %get3A_633, %get3A_634] {strides = array<i32>} : memref<2x16x1024xf32, #tpu.memory_space<vmem>>, vector<1x1x16xf32>,
        %get3A_636 = vector.shape_cast %get3A_635 : vector<1x1x16xf32> to vector<16xf32>
        %get3A_637 = arith.constant 9 : i32
        %get3A_638 = arith.index_cast %get3A_637 : i32 to index
        %get3A_639 = arith.index_cast %mul3A_489 : i32 to index
        %get3A_640 = tpu.vector_load %arg9[%get3A_638, %get3A_639] {strides = array<i32>} : memref<16x1024xf32, #tpu.memory_space<vmem>>, vector<1x16xf32>,
        %get3A_641 = vector.shape_cast %get3A_640 : vector<1x16xf32> to vector<16xf32>
        %mul3A_642 = arith.mulf %get3A_493, %get3A_636 : vector<16xf32>
        %mul3A_643 = arith.mulf %mul3A_642, %get3A_641 : vector<16xf32>
        %add3A_644 = arith.addf %scan3A_481, %mul3A_643 : vector<16xf32>
        %get3A_645 = arith.constant 1 : i32
        %get3A_646 = arith.constant 10 : i32
        %get3A_647 = arith.index_cast %get3A_645 : i32 to index
        %get3A_648 = arith.index_cast %get3A_646 : i32 to index
        %get3A_649 = arith.index_cast %mul3A_489 : i32 to index
        %get3A_650 = tpu.vector_load %arg7[%get3A_647, %get3A_648, %get3A_649] {strides = array<i32>} : memref<2x16x1024xf32, #tpu.memory_space<vmem>>, vector<1x1x16xf32>,
        %get3A_651 = vector.shape_cast %get3A_650 : vector<1x1x16xf32> to vector<16xf32>
        %get3A_652 = arith.constant 10 : i32
        %get3A_653 = arith.index_cast %get3A_652 : i32 to index
        %get3A_654 = arith.index_cast %mul3A_489 : i32 to index
        %get3A_655 = tpu.vector_load %arg9[%get3A_653, %get3A_654] {strides = array<i32>} : memref<16x1024xf32, #tpu.memory_space<vmem>>, vector<1x16xf32>,
        %get3A_656 = vector.shape_cast %get3A_655 : vector<1x16xf32> to vector<16xf32>
        %mul3A_657 = arith.mulf %get3A_493, %get3A_651 : vector<16xf32>
        %mul3A_658 = arith.mulf %mul3A_657, %get3A_656 : vector<16xf32>
        %add3A_659 = arith.addf %scan3A_482, %mul3A_658 : vector<16xf32>
        %get3A_660 = arith.constant 1 : i32
        %get3A_661 = arith.constant 11 : i32
        %get3A_662 = arith.index_cast %get3A_660 : i32 to index
        %get3A_663 = arith.index_cast %get3A_661 : i32 to index
        %get3A_664 = arith.index_cast %mul3A_489 : i32 to index
        %get3A_665 = tpu.vector_load %arg7[%get3A_662, %get3A_663, %get3A_664] {strides = array<i32>} : memref<2x16x1024xf32, #tpu.memory_space<vmem>>, vector<1x1x16xf32>,
        %get3A_666 = vector.shape_cast %get3A_665 : vector<1x1x16xf32> to vector<16xf32>
        %get3A_667 = arith.constant 11 : i32
        %get3A_668 = arith.index_cast %get3A_667 : i32 to index
        %get3A_669 = arith.index_cast %mul3A_489 : i32 to index
        %get3A_670 = tpu.vector_load %arg9[%get3A_668, %get3A_669] {strides = array<i32>} : memref<16x1024xf32, #tpu.memory_space<vmem>>, vector<1x16xf32>,
        %get3A_671 = vector.shape_cast %get3A_670 : vector<1x16xf32> to vector<16xf32>
        %mul3A_672 = arith.mulf %get3A_493, %get3A_666 : vector<16xf32>
        %mul3A_673 = arith.mulf %mul3A_672, %get3A_671 : vector<16xf32>
        %add3A_674 = arith.addf %scan3A_483, %mul3A_673 : vector<16xf32>
        %get3A_675 = arith.constant 1 : i32
        %get3A_676 = arith.constant 12 : i32
        %get3A_677 = arith.index_cast %get3A_675 : i32 to index
        %get3A_678 = arith.index_cast %get3A_676 : i32 to index
        %get3A_679 = arith.index_cast %mul3A_489 : i32 to index
        %get3A_680 = tpu.vector_load %arg7[%get3A_677, %get3A_678, %get3A_679] {strides = array<i32>} : memref<2x16x1024xf32, #tpu.memory_space<vmem>>, vector<1x1x16xf32>,
        %get3A_681 = vector.shape_cast %get3A_680 : vector<1x1x16xf32> to vector<16xf32>
        %get3A_682 = arith.constant 12 : i32
        %get3A_683 = arith.index_cast %get3A_682 : i32 to index
        %get3A_684 = arith.index_cast %mul3A_489 : i32 to index
        %get3A_685 = tpu.vector_load %arg9[%get3A_683, %get3A_684] {strides = array<i32>} : memref<16x1024xf32, #tpu.memory_space<vmem>>, vector<1x16xf32>,
        %get3A_686 = vector.shape_cast %get3A_685 : vector<1x16xf32> to vector<16xf32>
        %mul3A_687 = arith.mulf %get3A_493, %get3A_681 : vector<16xf32>
        %mul3A_688 = arith.mulf %mul3A_687, %get3A_686 : vector<16xf32>
        %add3A_689 = arith.addf %scan3A_484, %mul3A_688 : vector<16xf32>
        %get3A_690 = arith.constant 1 : i32
        %get3A_691 = arith.constant 13 : i32
        %get3A_692 = arith.index_cast %get3A_690 : i32 to index
        %get3A_693 = arith.index_cast %get3A_691 : i32 to index
        %get3A_694 = arith.index_cast %mul3A_489 : i32 to index
        %get3A_695 = tpu.vector_load %arg7[%get3A_692, %get3A_693, %get3A_694] {strides = array<i32>} : memref<2x16x1024xf32, #tpu.memory_space<vmem>>, vector<1x1x16xf32>,
        %get3A_696 = vector.shape_cast %get3A_695 : vector<1x1x16xf32> to vector<16xf32>
        %get3A_697 = arith.constant 13 : i32
        %get3A_698 = arith.index_cast %get3A_697 : i32 to index
        %get3A_699 = arith.index_cast %mul3A_489 : i32 to index
        %get3A_700 = tpu.vector_load %arg9[%get3A_698, %get3A_699] {strides = array<i32>} : memref<16x1024xf32, #tpu.memory_space<vmem>>, vector<1x16xf32>,
        %get3A_701 = vector.shape_cast %get3A_700 : vector<1x16xf32> to vector<16xf32>
        %mul3A_702 = arith.mulf %get3A_493, %get3A_696 : vector<16xf32>
        %mul3A_703 = arith.mulf %mul3A_702, %get3A_701 : vector<16xf32>
        %add3A_704 = arith.addf %scan3A_485, %mul3A_703 : vector<16xf32>
        %get3A_705 = arith.constant 1 : i32
        %get3A_706 = arith.constant 14 : i32
        %get3A_707 = arith.index_cast %get3A_705 : i32 to index
        %get3A_708 = arith.index_cast %get3A_706 : i32 to index
        %get3A_709 = arith.index_cast %mul3A_489 : i32 to index
        %get3A_710 = tpu.vector_load %arg7[%get3A_707, %get3A_708, %get3A_709] {strides = array<i32>} : memref<2x16x1024xf32, #tpu.memory_space<vmem>>, vector<1x1x16xf32>,
        %get3A_711 = vector.shape_cast %get3A_710 : vector<1x1x16xf32> to vector<16xf32>
        %get3A_712 = arith.constant 14 : i32
        %get3A_713 = arith.index_cast %get3A_712 : i32 to index
        %get3A_714 = arith.index_cast %mul3A_489 : i32 to index
        %get3A_715 = tpu.vector_load %arg9[%get3A_713, %get3A_714] {strides = array<i32>} : memref<16x1024xf32, #tpu.memory_space<vmem>>, vector<1x16xf32>,
        %get3A_716 = vector.shape_cast %get3A_715 : vector<1x16xf32> to vector<16xf32>
        %mul3A_717 = arith.mulf %get3A_493, %get3A_711 : vector<16xf32>
        %mul3A_718 = arith.mulf %mul3A_717, %get3A_716 : vector<16xf32>
        %add3A_719 = arith.addf %scan3A_486, %mul3A_718 : vector<16xf32>
        %get3A_720 = arith.constant 1 : i32
        %get3A_721 = arith.constant 15 : i32
        %get3A_722 = arith.index_cast %get3A_720 : i32 to index
        %get3A_723 = arith.index_cast %get3A_721 : i32 to index
        %get3A_724 = arith.index_cast %mul3A_489 : i32 to index
        %get3A_725 = tpu.vector_load %arg7[%get3A_722, %get3A_723, %get3A_724] {strides = array<i32>} : memref<2x16x1024xf32, #tpu.memory_space<vmem>>, vector<1x1x16xf32>,
        %get3A_726 = vector.shape_cast %get3A_725 : vector<1x1x16xf32> to vector<16xf32>
        %get3A_727 = arith.constant 15 : i32
        %get3A_728 = arith.index_cast %get3A_727 : i32 to index
        %get3A_729 = arith.index_cast %mul3A_489 : i32 to index
        %get3A_730 = tpu.vector_load %arg9[%get3A_728, %get3A_729] {strides = array<i32>} : memref<16x1024xf32, #tpu.memory_space<vmem>>, vector<1x16xf32>,
        %get3A_731 = vector.shape_cast %get3A_730 : vector<1x16xf32> to vector<16xf32>
        %mul3A_732 = arith.mulf %get3A_493, %get3A_726 : vector<16xf32>
        %mul3A_733 = arith.mulf %mul3A_732, %get3A_731 : vector<16xf32>
        %add3A_734 = arith.addf %scan3A_487, %mul3A_733 : vector<16xf32>
        scf.yield %add3A_494, %add3A_509, %add3A_524, %add3A_539, %add3A_554, %add3A_569, %add3A_584, %add3A_599, %add3A_614, %add3A_629, %add3A_644, %add3A_659, %add3A_674, %add3A_689, %add3A_704, %add3A_719, %add3A_734 : vector<16xf32>, vector<16xf32>, vector<16xf32>, vector<16xf32>, vector<16xf32>, vector<16xf32>, vector<16xf32>, vector<16xf32>, vector<16xf32>, vector<16xf32>, vector<16xf32>, vector<16xf32>, vector<16xf32>, vector<16xf32>, vector<16xf32>, vector<16xf32>, vector<16xf32>
      }
      %scan3A_360 = arith.constant 64 : i32
      %swap3A_361 = arith.index_cast %add3A_316 : i32 to index
      %swap3A_362 = arith.constant 0 : index
      %swap3A_363 = tpu.vector_load %arg10[%swap3A_361, %swap3A_362] {strides = array<i32>} : memref<64x272xf32, #tpu.memory_space<vmem>>, vector<1x16xf32>,
      %swap3A_364 = vector.shape_cast %swap3A_363 : vector<1x16xf32> to vector<16xf32>
      %swap3A_365 = vector.shape_cast %scan3A_359#1 : vector<16xf32> to vector<1x16xf32>
      tpu.vector_store %arg10[%swap3A_361, %swap3A_362], %swap3A_365 {strides = array<i32>} : memref<64x272xf32, #tpu.memory_space<vmem>>, vector<1x16xf32>,
      %swap3A_366 = arith.index_cast %add3A_316 : i32 to index
      %swap3A_367 = arith.constant 16 : index
      %swap3A_368 = tpu.vector_load %arg10[%swap3A_366, %swap3A_367] {strides = array<i32>} : memref<64x272xf32, #tpu.memory_space<vmem>>, vector<1x16xf32>,
      %swap3A_369 = vector.shape_cast %swap3A_368 : vector<1x16xf32> to vector<16xf32>
      %swap3A_370 = vector.shape_cast %scan3A_359#2 : vector<16xf32> to vector<1x16xf32>
      tpu.vector_store %arg10[%swap3A_366, %swap3A_367], %swap3A_370 {strides = array<i32>} : memref<64x272xf32, #tpu.memory_space<vmem>>, vector<1x16xf32>,
      %swap3A_371 = arith.index_cast %add3A_316 : i32 to index
      %swap3A_372 = arith.constant 32 : index
      %swap3A_373 = tpu.vector_load %arg10[%swap3A_371, %swap3A_372] {strides = array<i32>} : memref<64x272xf32, #tpu.memory_space<vmem>>, vector<1x16xf32>,
      %swap3A_374 = vector.shape_cast %swap3A_373 : vector<1x16xf32> to vector<16xf32>
      %swap3A_375 = vector.shape_cast %scan3A_359#3 : vector<16xf32> to vector<1x16xf32>
      tpu.vector_store %arg10[%swap3A_371, %swap3A_372], %swap3A_375 {strides = array<i32>} : memref<64x272xf32, #tpu.memory_space<vmem>>, vector<1x16xf32>,
      %swap3A_376 = arith.index_cast %add3A_316 : i32 to index
      %swap3A_377 = arith.constant 48 : index
      %swap3A_378 = tpu.vector_load %arg10[%swap3A_376, %swap3A_377] {strides = array<i32>} : memref<64x272xf32, #tpu.memory_space<vmem>>, vector<1x16xf32>,
      %swap3A_379 = vector.shape_cast %swap3A_378 : vector<1x16xf32> to vector<16xf32>
      %swap3A_380 = vector.shape_cast %scan3A_359#4 : vector<16xf32> to vector<1x16xf32>
      tpu.vector_store %arg10[%swap3A_376, %swap3A_377], %swap3A_380 {strides = array<i32>} : memref<64x272xf32, #tpu.memory_space<vmem>>, vector<1x16xf32>,
      %swap3A_381 = arith.index_cast %add3A_316 : i32 to index
      %swap3A_382 = arith.constant 64 : index
      %swap3A_383 = tpu.vector_load %arg10[%swap3A_381, %swap3A_382] {strides = array<i32>} : memref<64x272xf32, #tpu.memory_space<vmem>>, vector<1x16xf32>,
      %swap3A_384 = vector.shape_cast %swap3A_383 : vector<1x16xf32> to vector<16xf32>
      %swap3A_385 = vector.shape_cast %scan3A_359#5 : vector<16xf32> to vector<1x16xf32>
      tpu.vector_store %arg10[%swap3A_381, %swap3A_382], %swap3A_385 {strides = array<i32>} : memref<64x272xf32, #tpu.memory_space<vmem>>, vector<1x16xf32>,
      %swap3A_386 = arith.index_cast %add3A_316 : i32 to index
      %swap3A_387 = arith.constant 80 : index
      %swap3A_388 = tpu.vector_load %arg10[%swap3A_386, %swap3A_387] {strides = array<i32>} : memref<64x272xf32, #tpu.memory_space<vmem>>, vector<1x16xf32>,
      %swap3A_389 = vector.shape_cast %swap3A_388 : vector<1x16xf32> to vector<16xf32>
      %swap3A_390 = vector.shape_cast %scan3A_359#6 : vector<16xf32> to vector<1x16xf32>
      tpu.vector_store %arg10[%swap3A_386, %swap3A_387], %swap3A_390 {strides = array<i32>} : memref<64x272xf32, #tpu.memory_space<vmem>>, vector<1x16xf32>,
      %swap3A_391 = arith.index_cast %add3A_316 : i32 to index
      %swap3A_392 = arith.constant 96 : index
      %swap3A_393 = tpu.vector_load %arg10[%swap3A_391, %swap3A_392] {strides = array<i32>} : memref<64x272xf32, #tpu.memory_space<vmem>>, vector<1x16xf32>,
      %swap3A_394 = vector.shape_cast %swap3A_393 : vector<1x16xf32> to vector<16xf32>
      %swap3A_395 = vector.shape_cast %scan3A_359#7 : vector<16xf32> to vector<1x16xf32>
      tpu.vector_store %arg10[%swap3A_391, %swap3A_392], %swap3A_395 {strides = array<i32>} : memref<64x272xf32, #tpu.memory_space<vmem>>, vector<1x16xf32>,
      %swap3A_396 = arith.index_cast %add3A_316 : i32 to index
      %swap3A_397 = arith.constant 112 : index
      %swap3A_398 = tpu.vector_load %arg10[%swap3A_396, %swap3A_397] {strides = array<i32>} : memref<64x272xf32, #tpu.memory_space<vmem>>, vector<1x16xf32>,
      %swap3A_399 = vector.shape_cast %swap3A_398 : vector<1x16xf32> to vector<16xf32>
      %swap3A_400 = vector.shape_cast %scan3A_359#8 : vector<16xf32> to vector<1x16xf32>
      tpu.vector_store %arg10[%swap3A_396, %swap3A_397], %swap3A_400 {strides = array<i32>} : memref<64x272xf32, #tpu.memory_space<vmem>>, vector<1x16xf32>,
      %swap3A_401 = arith.index_cast %add3A_316 : i32 to index
      %swap3A_402 = arith.constant 128 : index
      %swap3A_403 = tpu.vector_load %arg10[%swap3A_401, %swap3A_402] {strides = array<i32>} : memref<64x272xf32, #tpu.memory_space<vmem>>, vector<1x16xf32>,
      %swap3A_404 = vector.shape_cast %swap3A_403 : vector<1x16xf32> to vector<16xf32>
      %swap3A_405 = vector.shape_cast %scan3A_359#9 : vector<16xf32> to vector<1x16xf32>
      tpu.vector_store %arg10[%swap3A_401, %swap3A_402], %swap3A_405 {strides = array<i32>} : memref<64x272xf32, #tpu.memory_space<vmem>>, vector<1x16xf32>,
      %swap3A_406 = arith.index_cast %add3A_316 : i32 to index
      %swap3A_407 = arith.constant 144 : index
      %swap3A_408 = tpu.vector_load %arg10[%swap3A_406, %swap3A_407] {strides = array<i32>} : memref<64x272xf32, #tpu.memory_space<vmem>>, vector<1x16xf32>,
      %swap3A_409 = vector.shape_cast %swap3A_408 : vector<1x16xf32> to vector<16xf32>
      %swap3A_410 = vector.shape_cast %scan3A_359#10 : vector<16xf32> to vector<1x16xf32>
      tpu.vector_store %arg10[%swap3A_406, %swap3A_407], %swap3A_410 {strides = array<i32>} : memref<64x272xf32, #tpu.memory_space<vmem>>, vector<1x16xf32>,
      %swap3A_411 = arith.index_cast %add3A_316 : i32 to index
      %swap3A_412 = arith.constant 160 : index
      %swap3A_413 = tpu.vector_load %arg10[%swap3A_411, %swap3A_412] {strides = array<i32>} : memref<64x272xf32, #tpu.memory_space<vmem>>, vector<1x16xf32>,
      %swap3A_414 = vector.shape_cast %swap3A_413 : vector<1x16xf32> to vector<16xf32>
      %swap3A_415 = vector.shape_cast %scan3A_359#11 : vector<16xf32> to vector<1x16xf32>
      tpu.vector_store %arg10[%swap3A_411, %swap3A_412], %swap3A_415 {strides = array<i32>} : memref<64x272xf32, #tpu.memory_space<vmem>>, vector<1x16xf32>,
      %swap3A_416 = arith.index_cast %add3A_316 : i32 to index
      %swap3A_417 = arith.constant 176 : index
      %swap3A_418 = tpu.vector_load %arg10[%swap3A_416, %swap3A_417] {strides = array<i32>} : memref<64x272xf32, #tpu.memory_space<vmem>>, vector<1x16xf32>,
      %swap3A_419 = vector.shape_cast %swap3A_418 : vector<1x16xf32> to vector<16xf32>
      %swap3A_420 = vector.shape_cast %scan3A_359#12 : vector<16xf32> to vector<1x16xf32>
      tpu.vector_store %arg10[%swap3A_416, %swap3A_417], %swap3A_420 {strides = array<i32>} : memref<64x272xf32, #tpu.memory_space<vmem>>, vector<1x16xf32>,
      %swap3A_421 = arith.index_cast %add3A_316 : i32 to index
      %swap3A_422 = arith.constant 192 : index
      %swap3A_423 = tpu.vector_load %arg10[%swap3A_421, %swap3A_422] {strides = array<i32>} : memref<64x272xf32, #tpu.memory_space<vmem>>, vector<1x16xf32>,
      %swap3A_424 = vector.shape_cast %swap3A_423 : vector<1x16xf32> to vector<16xf32>
      %swap3A_425 = vector.shape_cast %scan3A_359#13 : vector<16xf32> to vector<1x16xf32>
      tpu.vector_store %arg10[%swap3A_421, %swap3A_422], %swap3A_425 {strides = array<i32>} : memref<64x272xf32, #tpu.memory_space<vmem>>, vector<1x16xf32>,
      %swap3A_426 = arith.index_cast %add3A_316 : i32 to index
      %swap3A_427 = arith.constant 208 : index
      %swap3A_428 = tpu.vector_load %arg10[%swap3A_426, %swap3A_427] {strides = array<i32>} : memref<64x272xf32, #tpu.memory_space<vmem>>, vector<1x16xf32>,
      %swap3A_429 = vector.shape_cast %swap3A_428 : vector<1x16xf32> to vector<16xf32>
      %swap3A_430 = vector.shape_cast %scan3A_359#14 : vector<16xf32> to vector<1x16xf32>
      tpu.vector_store %arg10[%swap3A_426, %swap3A_427], %swap3A_430 {strides = array<i32>} : memref<64x272xf32, #tpu.memory_space<vmem>>, vector<1x16xf32>,
      %swap3A_431 = arith.index_cast %add3A_316 : i32 to index
      %swap3A_432 = arith.constant 224 : index
      %swap3A_433 = tpu.vector_load %arg10[%swap3A_431, %swap3A_432] {strides = array<i32>} : memref<64x272xf32, #tpu.memory_space<vmem>>, vector<1x16xf32>,
      %swap3A_434 = vector.shape_cast %swap3A_433 : vector<1x16xf32> to vector<16xf32>
      %swap3A_435 = vector.shape_cast %scan3A_359#15 : vector<16xf32> to vector<1x16xf32>
      tpu.vector_store %arg10[%swap3A_431, %swap3A_432], %swap3A_435 {strides = array<i32>} : memref<64x272xf32, #tpu.memory_space<vmem>>, vector<1x16xf32>,
      %swap3A_436 = arith.index_cast %add3A_316 : i32 to index
      %swap3A_437 = arith.constant 240 : index
      %swap3A_438 = tpu.vector_load %arg10[%swap3A_436, %swap3A_437] {strides = array<i32>} : memref<64x272xf32, #tpu.memory_space<vmem>>, vector<1x16xf32>,
      %swap3A_439 = vector.shape_cast %swap3A_438 : vector<1x16xf32> to vector<16xf32>
      %swap3A_440 = vector.shape_cast %scan3A_359#16 : vector<16xf32> to vector<1x16xf32>
      tpu.vector_store %arg10[%swap3A_436, %swap3A_437], %swap3A_440 {strides = array<i32>} : memref<64x272xf32, #tpu.memory_space<vmem>>, vector<1x16xf32>,
      %swap3A_441 = arith.index_cast %add3A_316 : i32 to index
      %swap3A_442 = arith.constant 256 : index
      %swap3A_443 = tpu.vector_load %arg10[%swap3A_441, %swap3A_442] {strides = array<i32>} : memref<64x272xf32, #tpu.memory_space<vmem>>, vector<1x16xf32>,
      %swap3A_444 = vector.shape_cast %swap3A_443 : vector<1x16xf32> to vector<16xf32>
      %swap3A_445 = vector.shape_cast %scan3A_359#0 : vector<16xf32> to vector<1x16xf32>
      tpu.vector_store %arg10[%swap3A_441, %swap3A_442], %swap3A_445 {strides = array<i32>} : memref<64x272xf32, #tpu.memory_space<vmem>>, vector<1x16xf32>,
      %dma_start3A_446 = arith.constant 1 : i32
      %dma_start3A_447 = arith.constant 1 : i32
      %dma_start3A_448 = arith.constant 0 : i32
      %dma_start3A_449 = arith.constant 0 : i32
      %dma_start3A_450 = tpu.memref_slice %arg7[%dma_start3A_446, %dma_start3A_448, %dma_start3A_449] : memref<2x16x1024xf32, #tpu.memory_space<vmem>> -> memref<1x16x1024xf32, #tpu.memory_space<vmem>>
      %dma_start3A_451 = tpu.memref_squeeze %dma_start3A_450 : memref<1x16x1024xf32, #tpu.memory_space<vmem>> -> memref<16x1024xf32, #tpu.memory_space<vmem>>
      %dma_start3A_452 = arith.constant 0 : i32
      %dma_start3A_453 = arith.constant 0 : i32
      %dma_start3A_454 = tpu.memref_slice %arg5[%add3A_312, %dma_start3A_452, %dma_start3A_453] : memref<2048x16x1024xf32, #tpu.memory_space<hbm>> -> memref<1x16x1024xf32, #tpu.memory_space<hbm>>
      %dma_start3A_455 = tpu.memref_squeeze %dma_start3A_454 : memref<1x16x1024xf32, #tpu.memory_space<hbm>> -> memref<16x1024xf32, #tpu.memory_space<hbm>>
      %dma_start3A_456 = tpu.memref_slice %arg13[%dma_start3A_447] : memref<2x!tpu.dma_semaphore, #tpu.memory_space<semaphore_mem>> -> memref<1x!tpu.dma_semaphore, #tpu.memory_space<semaphore_mem>>
      %dma_start3A_457 = tpu.memref_squeeze %dma_start3A_456 : memref<1x!tpu.dma_semaphore, #tpu.memory_space<semaphore_mem>> -> memref<!tpu.dma_semaphore, #tpu.memory_space<semaphore_mem>>
      %dma_start3A_458 = arith.constant 0 : i32
      %dma_start3A_459 = arith.constant 0 : i32
      %dma_start3A_460 = tpu.memref_slice %arg5[%add3A_312, %dma_start3A_458, %dma_start3A_459] : memref<2048x16x1024xf32, #tpu.memory_space<hbm>> -> memref<1x16x1024xf32, #tpu.memory_space<hbm>>
      %dma_start3A_461 = tpu.memref_squeeze %dma_start3A_460 : memref<1x16x1024xf32, #tpu.memory_space<hbm>> -> memref<16x1024xf32, #tpu.memory_space<hbm>>
      %dma_start3A_462 = arith.constant 0 : i32
      %dma_start3A_463 = arith.constant 0 : i32
      %dma_start3A_464 = tpu.memref_slice %arg7[%dma_start3A_446, %dma_start3A_462, %dma_start3A_463] : memref<2x16x1024xf32, #tpu.memory_space<vmem>> -> memref<1x16x1024xf32, #tpu.memory_space<vmem>>
      %dma_start3A_465 = tpu.memref_squeeze %dma_start3A_464 : memref<1x16x1024xf32, #tpu.memory_space<vmem>> -> memref<16x1024xf32, #tpu.memory_space<vmem>>
      tpu.enqueue_dma source(%dma_start3A_465 : memref<16x1024xf32, #tpu.memory_space<vmem>>) target(%dma_start3A_461 : memref<16x1024xf32, #tpu.memory_space<hbm>>) target_semaphore(%dma_start3A_457 : memref<!tpu.dma_semaphore, #tpu.memory_space<semaphore_mem>>)
      %add3A_466 = arith.constant 1 : i32
      %add3A_467 = arith.addi %scan3A_154, %add3A_466 : i32
      %lt3A = arith.constant 32 : i32
      %lt3A_468 = arith.cmpi slt, %add3A_467, %lt3A : i32
      %convert_element_type3A = arith.extui %lt3A_468 : i1 to i32
      %cond3A = arith.constant 0 : i32
      %cond3A_469 = arith.cmpi ne, %convert_element_type3A, %cond3A : i32
      scf.if %cond3A_469 {
        %add3A_470 = arith.constant 0 : i32
        %add3A_471 = arith.addi %add3A_157, %add3A_470 : i32
        %dma_wait3A_472 = arith.constant 0 : i32
        %dma_wait3A_473 = arith.constant 0 : i32
        %dma_wait3A_474 = arith.constant 0 : i32
        %dma_wait3A_475 = arith.constant 0 : i32
        %dma_wait3A_476 = tpu.memref_slice %arg7[%dma_wait3A_472, %dma_wait3A_474, %dma_wait3A_475] : memref<2x16x1024xf32, #tpu.memory_space<vmem>> -> memref<1x16x1024xf32, #tpu.memory_space<vmem>>
        %dma_wait3A_477 = tpu.memref_squeeze %dma_wait3A_476 : memref<1x16x1024xf32, #tpu.memory_space<vmem>> -> memref<16x1024xf32, #tpu.memory_space<vmem>>
        %dma_wait3A_478 = arith.constant 0 : i32
        %dma_wait3A_479 = arith.constant 0 : i32
        %dma_wait3A_480 = tpu.memref_slice %arg5[%add3A_471, %dma_wait3A_478, %dma_wait3A_479] : memref<2048x16x1024xf32, #tpu.memory_space<hbm>> -> memref<1x16x1024xf32, #tpu.memory_space<hbm>>
        %dma_wait3A_481 = tpu.memref_squeeze %dma_wait3A_480 : memref<1x16x1024xf32, #tpu.memory_space<hbm>> -> memref<16x1024xf32, #tpu.memory_space<hbm>>
        %dma_wait3A_482 = tpu.memref_slice %arg13[%dma_wait3A_473] : memref<2x!tpu.dma_semaphore, #tpu.memory_space<semaphore_mem>> -> memref<1x!tpu.dma_semaphore, #tpu.memory_space<semaphore_mem>>
        %dma_wait3A_483 = tpu.memref_squeeze %dma_wait3A_482 : memref<1x!tpu.dma_semaphore, #tpu.memory_space<semaphore_mem>> -> memref<!tpu.dma_semaphore, #tpu.memory_space<semaphore_mem>>
        %dma_wait3A_484 = arith.constant 0 : i32
        %dma_wait3A_485 = arith.constant 0 : i32
        %dma_wait3A_486 = tpu.memref_slice %arg5[%add3A_471, %dma_wait3A_484, %dma_wait3A_485] : memref<2048x16x1024xf32, #tpu.memory_space<hbm>> -> memref<1x16x1024xf32, #tpu.memory_space<hbm>>
        %dma_wait3A_487 = tpu.memref_squeeze %dma_wait3A_486 : memref<1x16x1024xf32, #tpu.memory_space<hbm>> -> memref<16x1024xf32, #tpu.memory_space<hbm>>
        %dma_wait3A_488 = arith.constant 0 : i32
        %dma_wait3A_489 = arith.constant 0 : i32
        %dma_wait3A_490 = tpu.memref_slice %arg7[%dma_wait3A_472, %dma_wait3A_488, %dma_wait3A_489] : memref<2x16x1024xf32, #tpu.memory_space<vmem>> -> memref<1x16x1024xf32, #tpu.memory_space<vmem>>
        %dma_wait3A_491 = tpu.memref_squeeze %dma_wait3A_490 : memref<1x16x1024xf32, #tpu.memory_space<vmem>> -> memref<16x1024xf32, #tpu.memory_space<vmem>>
        tpu.wait_dma2 semaphore(%dma_wait3A_483 : memref<!tpu.dma_semaphore, #tpu.memory_space<semaphore_mem>>) src(%dma_wait3A_491 : memref<16x1024xf32, #tpu.memory_space<vmem>>) dst(%dma_wait3A_487 : memref<16x1024xf32, #tpu.memory_space<hbm>>)
        %add3A_492 = arith.constant 2 : i32
        %add3A_493 = arith.addi %add3A_157, %add3A_492 : i32
        %add3A_494 = arith.constant 0 : i32
        %add3A_495 = arith.addi %add3A_493, %add3A_494 : i32
        %dma_start3A_496 = arith.constant 0 : i32
        %dma_start3A_497 = arith.constant 0 : i32
        %dma_start3A_498 = arith.constant 0 : i32
        %dma_start3A_499 = arith.constant 0 : i32
        %dma_start3A_500 = tpu.memref_slice %arg7[%dma_start3A_496, %dma_start3A_498, %dma_start3A_499] : memref<2x16x1024xf32, #tpu.memory_space<vmem>> -> memref<1x16x1024xf32, #tpu.memory_space<vmem>>
        %dma_start3A_501 = tpu.memref_squeeze %dma_start3A_500 : memref<1x16x1024xf32, #tpu.memory_space<vmem>> -> memref<16x1024xf32, #tpu.memory_space<vmem>>
        %dma_start3A_502 = arith.constant 0 : i32
        %dma_start3A_503 = arith.constant 0 : i32
        %dma_start3A_504 = tpu.memref_slice %arg3[%add3A_495, %dma_start3A_502, %dma_start3A_503] : memref<2048x16x1024xf32, #tpu.memory_space<hbm>> -> memref<1x16x1024xf32, #tpu.memory_space<hbm>>
        %dma_start3A_505 = tpu.memref_squeeze %dma_start3A_504 : memref<1x16x1024xf32, #tpu.memory_space<hbm>> -> memref<16x1024xf32, #tpu.memory_space<hbm>>
        %dma_start3A_506 = tpu.memref_slice %arg11[%dma_start3A_497] : memref<2x!tpu.dma_semaphore, #tpu.memory_space<semaphore_mem>> -> memref<1x!tpu.dma_semaphore, #tpu.memory_space<semaphore_mem>>
        %dma_start3A_507 = tpu.memref_squeeze %dma_start3A_506 : memref<1x!tpu.dma_semaphore, #tpu.memory_space<semaphore_mem>> -> memref<!tpu.dma_semaphore, #tpu.memory_space<semaphore_mem>>
        %dma_start3A_508 = arith.constant 0 : i32
        %dma_start3A_509 = arith.constant 0 : i32
        %dma_start3A_510 = tpu.memref_slice %arg7[%dma_start3A_496, %dma_start3A_508, %dma_start3A_509] : memref<2x16x1024xf32, #tpu.memory_space<vmem>> -> memref<1x16x1024xf32, #tpu.memory_space<vmem>>
        %dma_start3A_511 = tpu.memref_squeeze %dma_start3A_510 : memref<1x16x1024xf32, #tpu.memory_space<vmem>> -> memref<16x1024xf32, #tpu.memory_space<vmem>>
        %dma_start3A_512 = arith.constant 0 : i32
        %dma_start3A_513 = arith.constant 0 : i32
        %dma_start3A_514 = tpu.memref_slice %arg3[%add3A_495, %dma_start3A_512, %dma_start3A_513] : memref<2048x16x1024xf32, #tpu.memory_space<hbm>> -> memref<1x16x1024xf32, #tpu.memory_space<hbm>>
        %dma_start3A_515 = tpu.memref_squeeze %dma_start3A_514 : memref<1x16x1024xf32, #tpu.memory_space<hbm>> -> memref<16x1024xf32, #tpu.memory_space<hbm>>
        tpu.enqueue_dma source(%dma_start3A_515 : memref<16x1024xf32, #tpu.memory_space<hbm>>) target(%dma_start3A_511 : memref<16x1024xf32, #tpu.memory_space<vmem>>) target_semaphore(%dma_start3A_507 : memref<!tpu.dma_semaphore, #tpu.memory_space<semaphore_mem>>)
        %add3A_516 = arith.constant 2 : i32
        %add3A_517 = arith.addi %add3A_157, %add3A_516 : i32
        %add3A_518 = arith.constant 0 : i32
        %add3A_519 = arith.addi %add3A_517, %add3A_518 : i32
        %dma_start3A_520 = arith.constant 0 : i32
        %dma_start3A_521 = arith.constant 0 : i32
        %dma_start3A_522 = arith.constant 0 : i32
        %dma_start3A_523 = tpu.memref_slice %arg8[%dma_start3A_520, %dma_start3A_522] : memref<2x1024xf32, #tpu.memory_space<vmem>> -> memref<1x1024xf32, #tpu.memory_space<vmem>>
        %dma_start3A_524 = tpu.memref_squeeze %dma_start3A_523 : memref<1x1024xf32, #tpu.memory_space<vmem>> -> memref<1024xf32, #tpu.memory_space<vmem>>
        %dma_start3A_525 = arith.constant 0 : i32
        %dma_start3A_526 = tpu.memref_slice %arg2[%add3A_519, %dma_start3A_525] : memref<2048x1024xf32, #tpu.memory_space<hbm>> -> memref<1x1024xf32, #tpu.memory_space<hbm>>
        %dma_start3A_527 = tpu.memref_squeeze %dma_start3A_526 : memref<1x1024xf32, #tpu.memory_space<hbm>> -> memref<1024xf32, #tpu.memory_space<hbm>>
        %dma_start3A_528 = tpu.memref_slice %arg12[%dma_start3A_521] : memref<2x!tpu.dma_semaphore, #tpu.memory_space<semaphore_mem>> -> memref<1x!tpu.dma_semaphore, #tpu.memory_space<semaphore_mem>>
        %dma_start3A_529 = tpu.memref_squeeze %dma_start3A_528 : memref<1x!tpu.dma_semaphore, #tpu.memory_space<semaphore_mem>> -> memref<!tpu.dma_semaphore, #tpu.memory_space<semaphore_mem>>
        %dma_start3A_530 = arith.constant 0 : i32
        %dma_start3A_531 = tpu.memref_slice %arg8[%dma_start3A_520, %dma_start3A_530] : memref<2x1024xf32, #tpu.memory_space<vmem>> -> memref<1x1024xf32, #tpu.memory_space<vmem>>
        %dma_start3A_532 = tpu.memref_squeeze %dma_start3A_531 : memref<1x1024xf32, #tpu.memory_space<vmem>> -> memref<1024xf32, #tpu.memory_space<vmem>>
        %dma_start3A_533 = arith.constant 0 : i32
        %dma_start3A_534 = tpu.memref_slice %arg2[%add3A_519, %dma_start3A_533] : memref<2048x1024xf32, #tpu.memory_space<hbm>> -> memref<1x1024xf32, #tpu.memory_space<hbm>>
        %dma_start3A_535 = tpu.memref_squeeze %dma_start3A_534 : memref<1x1024xf32, #tpu.memory_space<hbm>> -> memref<1024xf32, #tpu.memory_space<hbm>>
        tpu.enqueue_dma source(%dma_start3A_535 : memref<1024xf32, #tpu.memory_space<hbm>>) target(%dma_start3A_532 : memref<1024xf32, #tpu.memory_space<vmem>>) target_semaphore(%dma_start3A_529 : memref<!tpu.dma_semaphore, #tpu.memory_space<semaphore_mem>>)
        %add3A_536 = arith.constant 1 : i32
        %add3A_537 = arith.addi %add3A_157, %add3A_536 : i32
        %dma_wait3A_538 = arith.constant 1 : i32
        %dma_wait3A_539 = arith.constant 1 : i32
        %dma_wait3A_540 = arith.constant 0 : i32
        %dma_wait3A_541 = arith.constant 0 : i32
        %dma_wait3A_542 = tpu.memref_slice %arg7[%dma_wait3A_538, %dma_wait3A_540, %dma_wait3A_541] : memref<2x16x1024xf32, #tpu.memory_space<vmem>> -> memref<1x16x1024xf32, #tpu.memory_space<vmem>>
        %dma_wait3A_543 = tpu.memref_squeeze %dma_wait3A_542 : memref<1x16x1024xf32, #tpu.memory_space<vmem>> -> memref<16x1024xf32, #tpu.memory_space<vmem>>
        %dma_wait3A_544 = arith.constant 0 : i32
        %dma_wait3A_545 = arith.constant 0 : i32
        %dma_wait3A_546 = tpu.memref_slice %arg5[%add3A_537, %dma_wait3A_544, %dma_wait3A_545] : memref<2048x16x1024xf32, #tpu.memory_space<hbm>> -> memref<1x16x1024xf32, #tpu.memory_space<hbm>>
        %dma_wait3A_547 = tpu.memref_squeeze %dma_wait3A_546 : memref<1x16x1024xf32, #tpu.memory_space<hbm>> -> memref<16x1024xf32, #tpu.memory_space<hbm>>
        %dma_wait3A_548 = tpu.memref_slice %arg13[%dma_wait3A_539] : memref<2x!tpu.dma_semaphore, #tpu.memory_space<semaphore_mem>> -> memref<1x!tpu.dma_semaphore, #tpu.memory_space<semaphore_mem>>
        %dma_wait3A_549 = tpu.memref_squeeze %dma_wait3A_548 : memref<1x!tpu.dma_semaphore, #tpu.memory_space<semaphore_mem>> -> memref<!tpu.dma_semaphore, #tpu.memory_space<semaphore_mem>>
        %dma_wait3A_550 = arith.constant 0 : i32
        %dma_wait3A_551 = arith.constant 0 : i32
        %dma_wait3A_552 = tpu.memref_slice %arg5[%add3A_537, %dma_wait3A_550, %dma_wait3A_551] : memref<2048x16x1024xf32, #tpu.memory_space<hbm>> -> memref<1x16x1024xf32, #tpu.memory_space<hbm>>
        %dma_wait3A_553 = tpu.memref_squeeze %dma_wait3A_552 : memref<1x16x1024xf32, #tpu.memory_space<hbm>> -> memref<16x1024xf32, #tpu.memory_space<hbm>>
        %dma_wait3A_554 = arith.constant 0 : i32
        %dma_wait3A_555 = arith.constant 0 : i32
        %dma_wait3A_556 = tpu.memref_slice %arg7[%dma_wait3A_538, %dma_wait3A_554, %dma_wait3A_555] : memref<2x16x1024xf32, #tpu.memory_space<vmem>> -> memref<1x16x1024xf32, #tpu.memory_space<vmem>>
        %dma_wait3A_557 = tpu.memref_squeeze %dma_wait3A_556 : memref<1x16x1024xf32, #tpu.memory_space<vmem>> -> memref<16x1024xf32, #tpu.memory_space<vmem>>
        tpu.wait_dma2 semaphore(%dma_wait3A_549 : memref<!tpu.dma_semaphore, #tpu.memory_space<semaphore_mem>>) src(%dma_wait3A_557 : memref<16x1024xf32, #tpu.memory_space<vmem>>) dst(%dma_wait3A_553 : memref<16x1024xf32, #tpu.memory_space<hbm>>)
        %add3A_558 = arith.constant 2 : i32
        %add3A_559 = arith.addi %add3A_157, %add3A_558 : i32
        %add3A_560 = arith.constant 1 : i32
        %add3A_561 = arith.addi %add3A_559, %add3A_560 : i32
        %dma_start3A_562 = arith.constant 1 : i32
        %dma_start3A_563 = arith.constant 1 : i32
        %dma_start3A_564 = arith.constant 0 : i32
        %dma_start3A_565 = arith.constant 0 : i32
        %dma_start3A_566 = tpu.memref_slice %arg7[%dma_start3A_562, %dma_start3A_564, %dma_start3A_565] : memref<2x16x1024xf32, #tpu.memory_space<vmem>> -> memref<1x16x1024xf32, #tpu.memory_space<vmem>>
        %dma_start3A_567 = tpu.memref_squeeze %dma_start3A_566 : memref<1x16x1024xf32, #tpu.memory_space<vmem>> -> memref<16x1024xf32, #tpu.memory_space<vmem>>
        %dma_start3A_568 = arith.constant 0 : i32
        %dma_start3A_569 = arith.constant 0 : i32
        %dma_start3A_570 = tpu.memref_slice %arg3[%add3A_561, %dma_start3A_568, %dma_start3A_569] : memref<2048x16x1024xf32, #tpu.memory_space<hbm>> -> memref<1x16x1024xf32, #tpu.memory_space<hbm>>
        %dma_start3A_571 = tpu.memref_squeeze %dma_start3A_570 : memref<1x16x1024xf32, #tpu.memory_space<hbm>> -> memref<16x1024xf32, #tpu.memory_space<hbm>>
        %dma_start3A_572 = tpu.memref_slice %arg11[%dma_start3A_563] : memref<2x!tpu.dma_semaphore, #tpu.memory_space<semaphore_mem>> -> memref<1x!tpu.dma_semaphore, #tpu.memory_space<semaphore_mem>>
        %dma_start3A_573 = tpu.memref_squeeze %dma_start3A_572 : memref<1x!tpu.dma_semaphore, #tpu.memory_space<semaphore_mem>> -> memref<!tpu.dma_semaphore, #tpu.memory_space<semaphore_mem>>
        %dma_start3A_574 = arith.constant 0 : i32
        %dma_start3A_575 = arith.constant 0 : i32
        %dma_start3A_576 = tpu.memref_slice %arg7[%dma_start3A_562, %dma_start3A_574, %dma_start3A_575] : memref<2x16x1024xf32, #tpu.memory_space<vmem>> -> memref<1x16x1024xf32, #tpu.memory_space<vmem>>
        %dma_start3A_577 = tpu.memref_squeeze %dma_start3A_576 : memref<1x16x1024xf32, #tpu.memory_space<vmem>> -> memref<16x1024xf32, #tpu.memory_space<vmem>>
        %dma_start3A_578 = arith.constant 0 : i32
        %dma_start3A_579 = arith.constant 0 : i32
        %dma_start3A_580 = tpu.memref_slice %arg3[%add3A_561, %dma_start3A_578, %dma_start3A_579] : memref<2048x16x1024xf32, #tpu.memory_space<hbm>> -> memref<1x16x1024xf32, #tpu.memory_space<hbm>>
        %dma_start3A_581 = tpu.memref_squeeze %dma_start3A_580 : memref<1x16x1024xf32, #tpu.memory_space<hbm>> -> memref<16x1024xf32, #tpu.memory_space<hbm>>
        tpu.enqueue_dma source(%dma_start3A_581 : memref<16x1024xf32, #tpu.memory_space<hbm>>) target(%dma_start3A_577 : memref<16x1024xf32, #tpu.memory_space<vmem>>) target_semaphore(%dma_start3A_573 : memref<!tpu.dma_semaphore, #tpu.memory_space<semaphore_mem>>)
        %add3A_582 = arith.constant 2 : i32
        %add3A_583 = arith.addi %add3A_157, %add3A_582 : i32
        %add3A_584 = arith.constant 1 : i32
        %add3A_585 = arith.addi %add3A_583, %add3A_584 : i32
        %dma_start3A_586 = arith.constant 1 : i32
        %dma_start3A_587 = arith.constant 1 : i32
        %dma_start3A_588 = arith.constant 0 : i32
        %dma_start3A_589 = tpu.memref_slice %arg8[%dma_start3A_586, %dma_start3A_588] : memref<2x1024xf32, #tpu.memory_space<vmem>> -> memref<1x1024xf32, #tpu.memory_space<vmem>>
        %dma_start3A_590 = tpu.memref_squeeze %dma_start3A_589 : memref<1x1024xf32, #tpu.memory_space<vmem>> -> memref<1024xf32, #tpu.memory_space<vmem>>
        %dma_start3A_591 = arith.constant 0 : i32
        %dma_start3A_592 = tpu.memref_slice %arg2[%add3A_585, %dma_start3A_591] : memref<2048x1024xf32, #tpu.memory_space<hbm>> -> memref<1x1024xf32, #tpu.memory_space<hbm>>
        %dma_start3A_593 = tpu.memref_squeeze %dma_start3A_592 : memref<1x1024xf32, #tpu.memory_space<hbm>> -> memref<1024xf32, #tpu.memory_space<hbm>>
        %dma_start3A_594 = tpu.memref_slice %arg12[%dma_start3A_587] : memref<2x!tpu.dma_semaphore, #tpu.memory_space<semaphore_mem>> -> memref<1x!tpu.dma_semaphore, #tpu.memory_space<semaphore_mem>>
        %dma_start3A_595 = tpu.memref_squeeze %dma_start3A_594 : memref<1x!tpu.dma_semaphore, #tpu.memory_space<semaphore_mem>> -> memref<!tpu.dma_semaphore, #tpu.memory_space<semaphore_mem>>
        %dma_start3A_596 = arith.constant 0 : i32
        %dma_start3A_597 = tpu.memref_slice %arg8[%dma_start3A_586, %dma_start3A_596] : memref<2x1024xf32, #tpu.memory_space<vmem>> -> memref<1x1024xf32, #tpu.memory_space<vmem>>
        %dma_start3A_598 = tpu.memref_squeeze %dma_start3A_597 : memref<1x1024xf32, #tpu.memory_space<vmem>> -> memref<1024xf32, #tpu.memory_space<vmem>>
        %dma_start3A_599 = arith.constant 0 : i32
        %dma_start3A_600 = tpu.memref_slice %arg2[%add3A_585, %dma_start3A_599] : memref<2048x1024xf32, #tpu.memory_space<hbm>> -> memref<1x1024xf32, #tpu.memory_space<hbm>>
        %dma_start3A_601 = tpu.memref_squeeze %dma_start3A_600 : memref<1x1024xf32, #tpu.memory_space<hbm>> -> memref<1024xf32, #tpu.memory_space<hbm>>
        tpu.enqueue_dma source(%dma_start3A_601 : memref<1024xf32, #tpu.memory_space<hbm>>) target(%dma_start3A_598 : memref<1024xf32, #tpu.memory_space<vmem>>) target_semaphore(%dma_start3A_595 : memref<!tpu.dma_semaphore, #tpu.memory_space<semaphore_mem>>)
      } else {
      }
    }
    %scan3A_102 = arith.constant 32 : i32
    %add3A_103 = arith.constant 64 : i32
    %add3A_104 = arith.addi %mul3A_2, %add3A_103 : i32
    %sub3A_105 = arith.constant 2 : i32
    %sub3A_106 = arith.subi %add3A_104, %sub3A_105 : i32
    %add3A_107 = arith.constant 0 : i32
    %add3A_108 = arith.addi %sub3A_106, %add3A_107 : i32
    %dma_wait3A = arith.constant 0 : i32
    %dma_wait3A_109 = arith.constant 0 : i32
    %dma_wait3A_110 = arith.constant 0 : i32
    %dma_wait3A_111 = arith.constant 0 : i32
    %dma_wait3A_112 = tpu.memref_slice %arg7[%dma_wait3A, %dma_wait3A_110, %dma_wait3A_111] : memref<2x16x1024xf32, #tpu.memory_space<vmem>> -> memref<1x16x1024xf32, #tpu.memory_space<vmem>>
    %dma_wait3A_113 = tpu.memref_squeeze %dma_wait3A_112 : memref<1x16x1024xf32, #tpu.memory_space<vmem>> -> memref<16x1024xf32, #tpu.memory_space<vmem>>
    %dma_wait3A_114 = arith.constant 0 : i32
    %dma_wait3A_115 = arith.constant 0 : i32
    %dma_wait3A_116 = tpu.memref_slice %arg5[%add3A_108, %dma_wait3A_114, %dma_wait3A_115] : memref<2048x16x1024xf32, #tpu.memory_space<hbm>> -> memref<1x16x1024xf32, #tpu.memory_space<hbm>>
    %dma_wait3A_117 = tpu.memref_squeeze %dma_wait3A_116 : memref<1x16x1024xf32, #tpu.memory_space<hbm>> -> memref<16x1024xf32, #tpu.memory_space<hbm>>
    %dma_wait3A_118 = tpu.memref_slice %arg13[%dma_wait3A_109] : memref<2x!tpu.dma_semaphore, #tpu.memory_space<semaphore_mem>> -> memref<1x!tpu.dma_semaphore, #tpu.memory_space<semaphore_mem>>
    %dma_wait3A_119 = tpu.memref_squeeze %dma_wait3A_118 : memref<1x!tpu.dma_semaphore, #tpu.memory_space<semaphore_mem>> -> memref<!tpu.dma_semaphore, #tpu.memory_space<semaphore_mem>>
    %dma_wait3A_120 = arith.constant 0 : i32
    %dma_wait3A_121 = arith.constant 0 : i32
    %dma_wait3A_122 = tpu.memref_slice %arg5[%add3A_108, %dma_wait3A_120, %dma_wait3A_121] : memref<2048x16x1024xf32, #tpu.memory_space<hbm>> -> memref<1x16x1024xf32, #tpu.memory_space<hbm>>
    %dma_wait3A_123 = tpu.memref_squeeze %dma_wait3A_122 : memref<1x16x1024xf32, #tpu.memory_space<hbm>> -> memref<16x1024xf32, #tpu.memory_space<hbm>>
    %dma_wait3A_124 = arith.constant 0 : i32
    %dma_wait3A_125 = arith.constant 0 : i32
    %dma_wait3A_126 = tpu.memref_slice %arg7[%dma_wait3A, %dma_wait3A_124, %dma_wait3A_125] : memref<2x16x1024xf32, #tpu.memory_space<vmem>> -> memref<1x16x1024xf32, #tpu.memory_space<vmem>>
    %dma_wait3A_127 = tpu.memref_squeeze %dma_wait3A_126 : memref<1x16x1024xf32, #tpu.memory_space<vmem>> -> memref<16x1024xf32, #tpu.memory_space<vmem>>
    tpu.wait_dma2 semaphore(%dma_wait3A_119 : memref<!tpu.dma_semaphore, #tpu.memory_space<semaphore_mem>>) src(%dma_wait3A_127 : memref<16x1024xf32, #tpu.memory_space<vmem>>) dst(%dma_wait3A_123 : memref<16x1024xf32, #tpu.memory_space<hbm>>)
    %add3A_128 = arith.constant 64 : i32
    %add3A_129 = arith.addi %mul3A_2, %add3A_128 : i32
    %sub3A_130 = arith.constant 2 : i32
    %sub3A_131 = arith.subi %add3A_129, %sub3A_130 : i32
    %add3A_132 = arith.constant 1 : i32
    %add3A_133 = arith.addi %sub3A_131, %add3A_132 : i32
    %dma_wait3A_134 = arith.constant 1 : i32
    %dma_wait3A_135 = arith.constant 1 : i32
    %dma_wait3A_136 = arith.constant 0 : i32
    %dma_wait3A_137 = arith.constant 0 : i32
    %dma_wait3A_138 = tpu.memref_slice %arg7[%dma_wait3A_134, %dma_wait3A_136, %dma_wait3A_137] : memref<2x16x1024xf32, #tpu.memory_space<vmem>> -> memref<1x16x1024xf32, #tpu.memory_space<vmem>>
    %dma_wait3A_139 = tpu.memref_squeeze %dma_wait3A_138 : memref<1x16x1024xf32, #tpu.memory_space<vmem>> -> memref<16x1024xf32, #tpu.memory_space<vmem>>
    %dma_wait3A_140 = arith.constant 0 : i32
    %dma_wait3A_141 = arith.constant 0 : i32
    %dma_wait3A_142 = tpu.memref_slice %arg5[%add3A_133, %dma_wait3A_140, %dma_wait3A_141] : memref<2048x16x1024xf32, #tpu.memory_space<hbm>> -> memref<1x16x1024xf32, #tpu.memory_space<hbm>>
    %dma_wait3A_143 = tpu.memref_squeeze %dma_wait3A_142 : memref<1x16x1024xf32, #tpu.memory_space<hbm>> -> memref<16x1024xf32, #tpu.memory_space<hbm>>
    %dma_wait3A_144 = tpu.memref_slice %arg13[%dma_wait3A_135] : memref<2x!tpu.dma_semaphore, #tpu.memory_space<semaphore_mem>> -> memref<1x!tpu.dma_semaphore, #tpu.memory_space<semaphore_mem>>
    %dma_wait3A_145 = tpu.memref_squeeze %dma_wait3A_144 : memref<1x!tpu.dma_semaphore, #tpu.memory_space<semaphore_mem>> -> memref<!tpu.dma_semaphore, #tpu.memory_space<semaphore_mem>>
    %dma_wait3A_146 = arith.constant 0 : i32
    %dma_wait3A_147 = arith.constant 0 : i32
    %dma_wait3A_148 = tpu.memref_slice %arg5[%add3A_133, %dma_wait3A_146, %dma_wait3A_147] : memref<2048x16x1024xf32, #tpu.memory_space<hbm>> -> memref<1x16x1024xf32, #tpu.memory_space<hbm>>
    %dma_wait3A_149 = tpu.memref_squeeze %dma_wait3A_148 : memref<1x16x1024xf32, #tpu.memory_space<hbm>> -> memref<16x1024xf32, #tpu.memory_space<hbm>>
    %dma_wait3A_150 = arith.constant 0 : i32
    %dma_wait3A_151 = arith.constant 0 : i32
    %dma_wait3A_152 = tpu.memref_slice %arg7[%dma_wait3A_134, %dma_wait3A_150, %dma_wait3A_151] : memref<2x16x1024xf32, #tpu.memory_space<vmem>> -> memref<1x16x1024xf32, #tpu.memory_space<vmem>>
    %dma_wait3A_153 = tpu.memref_squeeze %dma_wait3A_152 : memref<1x16x1024xf32, #tpu.memory_space<vmem>> -> memref<16x1024xf32, #tpu.memory_space<vmem>>
    tpu.wait_dma2 semaphore(%dma_wait3A_145 : memref<!tpu.dma_semaphore, #tpu.memory_space<semaphore_mem>>) src(%dma_wait3A_153 : memref<16x1024xf32, #tpu.memory_space<vmem>>) dst(%dma_wait3A_149 : memref<16x1024xf32, #tpu.memory_space<hbm>>)
    "tpu.region"() ({
      %run_scoped3A = tpu.sem_alloc : memref<!tpu.dma_semaphore, #tpu.memory_space<semaphore_mem>>
      %dma_start3A_154 = arith.constant 0 : i32
      %dma_start3A_155 = tpu.memref_slice %arg6[%mul3A_2, %dma_start3A_154] : memref<2048x272xf32, #tpu.memory_space<hbm>> -> memref<64x272xf32, #tpu.memory_space<hbm>>
      %dma_start3A_156 = arith.constant 0 : i32
      %dma_start3A_157 = tpu.memref_slice %arg6[%mul3A_2, %dma_start3A_156] : memref<2048x272xf32, #tpu.memory_space<hbm>> -> memref<64x272xf32, #tpu.memory_space<hbm>>
      tpu.enqueue_dma source(%arg10 : memref<64x272xf32, #tpu.memory_space<vmem>>) target(%dma_start3A_157 : memref<64x272xf32, #tpu.memory_space<hbm>>) target_semaphore(%run_scoped3A : memref<!tpu.dma_semaphore, #tpu.memory_space<semaphore_mem>>)
      %dma_wait3A_158 = arith.constant 0 : i32
      %dma_wait3A_159 = tpu.memref_slice %arg6[%mul3A_2, %dma_wait3A_158] : memref<2048x272xf32, #tpu.memory_space<hbm>> -> memref<64x272xf32, #tpu.memory_space<hbm>>
      %dma_wait3A_160 = arith.constant 0 : i32
      %dma_wait3A_161 = tpu.memref_slice %arg6[%mul3A_2, %dma_wait3A_160] : memref<2048x272xf32, #tpu.memory_space<hbm>> -> memref<64x272xf32, #tpu.memory_space<hbm>>
      tpu.wait_dma2 semaphore(%run_scoped3A : memref<!tpu.dma_semaphore, #tpu.memory_space<semaphore_mem>>) src(%arg10 : memref<64x272xf32, #tpu.memory_space<vmem>>) dst(%dma_wait3A_161 : memref<64x272xf32, #tpu.memory_space<hbm>>)
      tpu.yield
    }) : () -> ()
    return
  }
}

module attributes {stable_mosaic.version = 14 : i64} {
  func.func @_micro_body(%arg0: i32, %arg1: memref<1x16x1024xf32, #tpu.memory_space<vmem>>, %arg2: memref<16x16xf32, #tpu.memory_space<vmem>>, %arg3: memref<16x1xf32, #tpu.memory_space<vmem>>, %arg4: memref<16x16xf32, #tpu.memory_space<vmem>>, %arg5: memref<16x1xf32, #tpu.memory_space<vmem>>, %arg6: memref<16x16xf32, #tpu.memory_space<vmem>>, %arg7: memref<16x1xf32, #tpu.memory_space<vmem>>, %arg8: memref<16x16xf32, #tpu.memory_space<vmem>>, %arg9: memref<16x1xf32, #tpu.memory_space<vmem>>, %arg10: memref<1x16x1024xf32, #tpu.memory_space<vmem>>, %arg11: memref<1x1024x16xf32, #tpu.memory_space<vmem>>) attributes {dimension_semantics = [#tpu.dimension_semantics<arbitrary>], iteration_bounds = array<i64: 2>, scalar_prefetch = 0 : i64, scratch_operands = 0 : i64, tpu.core_type = #tpu.core_type<tc>, window_params = [{transform_indices = @transform_0, window_bounds = array<i64: 1, 16, 1024>}, {pipeline_mode = #tpu.pipeline_mode<synchronous>, transform_indices = @transform_1, window_bounds = array<i64: 16, 16>}, {pipeline_mode = #tpu.pipeline_mode<synchronous>, transform_indices = @transform_2, window_bounds = array<i64: 16, 1>}, {pipeline_mode = #tpu.pipeline_mode<synchronous>, transform_indices = @transform_3, window_bounds = array<i64: 16, 16>}, {pipeline_mode = #tpu.pipeline_mode<synchronous>, transform_indices = @transform_4, window_bounds = array<i64: 16, 1>}, {pipeline_mode = #tpu.pipeline_mode<synchronous>, transform_indices = @transform_5, window_bounds = array<i64: 16, 16>}, {pipeline_mode = #tpu.pipeline_mode<synchronous>, transform_indices = @transform_6, window_bounds = array<i64: 16, 1>}, {pipeline_mode = #tpu.pipeline_mode<synchronous>, transform_indices = @transform_7, window_bounds = array<i64: 16, 16>}, {pipeline_mode = #tpu.pipeline_mode<synchronous>, transform_indices = @transform_8, window_bounds = array<i64: 16, 1>}, {transform_indices = @transform_9, window_bounds = array<i64: 1, 16, 1024>}, {transform_indices = @transform_10, window_bounds = array<i64: 1, 1024, 16>}]} {
    %get3A = arith.constant 0 : index
    %get3A_0 = arith.constant 0 : index
    %get3A_1 = arith.constant 0 : index
    %get3A_2 = vector.load %arg1[%get3A, %get3A_0, %get3A_1] : memref<1x16x1024xf32, #tpu.memory_space<vmem>>, vector<1x16x1024xf32>
    %get3A_3 = vector.shape_cast %get3A_2 : vector<1x16x1024xf32> to vector<16x1024xf32>
    %get3A_4 = arith.constant 0 : index
    %get3A_5 = arith.constant 0 : index
    %get3A_6 = vector.load %arg2[%get3A_4, %get3A_5] : memref<16x16xf32, #tpu.memory_space<vmem>>, vector<16x16xf32>
    %get3A_7 = arith.constant 0 : index
    %get3A_8 = arith.constant 0 : index
    %get3A_9 = vector.load %arg3[%get3A_7, %get3A_8] : memref<16x1xf32, #tpu.memory_space<vmem>>, vector<16x1xf32>
    %get3A_10 = arith.constant 0 : index
    %get3A_11 = arith.constant 0 : index
    %get3A_12 = vector.load %arg4[%get3A_10, %get3A_11] : memref<16x16xf32, #tpu.memory_space<vmem>>, vector<16x16xf32>
    %get3A_13 = arith.constant 0 : index
    %get3A_14 = arith.constant 0 : index
    %get3A_15 = vector.load %arg5[%get3A_13, %get3A_14] : memref<16x1xf32, #tpu.memory_space<vmem>>, vector<16x1xf32>
    %dot_general3A = arith.constant dense<0.000000e+00> : vector<16x1024xf32>
    %dot_general3A_16 = tpu.matmul %get3A_6, %get3A_3, %dot_general3A {dimension_numbers = #tpu.dot_dimension_numbers<[0], [0], [1], [1], [0, 1, 1, 1], [], []>, transpose_lhs_hint = false} : vector<16x16xf32>, vector<16x1024xf32>, vector<16x1024xf32> -> vector<16x1024xf32>
    %add3A = vector.broadcast %get3A_9 : vector<16x1xf32> to vector<16x1024xf32>
    %add3A_17 = arith.addf %dot_general3A_16, %add3A : vector<16x1024xf32>
    %max3A = arith.constant 0.000000e+00 : f32
    %max3A_18 = vector.broadcast %max3A : f32 to vector<16x1024xf32>
    %max3A_19 = arith.maximumf %add3A_17, %max3A_18 : vector<16x1024xf32>
    %dot_general3A_20 = arith.constant dense<0.000000e+00> : vector<16x1024xf32>
    %dot_general3A_21 = tpu.matmul %get3A_12, %max3A_19, %dot_general3A_20 {dimension_numbers = #tpu.dot_dimension_numbers<[0], [0], [1], [1], [0, 1, 1, 1], [], []>, transpose_lhs_hint = false} : vector<16x16xf32>, vector<16x1024xf32>, vector<16x1024xf32> -> vector<16x1024xf32>
    %add3A_22 = vector.broadcast %get3A_15 : vector<16x1xf32> to vector<16x1024xf32>
    %add3A_23 = arith.addf %dot_general3A_21, %add3A_22 : vector<16x1024xf32>
    %max3A_24 = arith.constant 0.000000e+00 : f32
    %max3A_25 = vector.broadcast %max3A_24 : f32 to vector<16x1024xf32>
    %max3A_26 = arith.maximumf %add3A_23, %max3A_25 : vector<16x1024xf32>
    %swap3A = arith.constant 0 : index
    %swap3A_27 = arith.constant 0 : index
    %swap3A_28 = arith.constant 0 : index
    %swap3A_29 = vector.load %arg10[%swap3A, %swap3A_27, %swap3A_28] : memref<1x16x1024xf32, #tpu.memory_space<vmem>>, vector<1x16x1024xf32>
    %swap3A_30 = vector.shape_cast %swap3A_29 : vector<1x16x1024xf32> to vector<16x1024xf32>
    %swap3A_31 = vector.shape_cast %max3A_26 : vector<16x1024xf32> to vector<1x16x1024xf32>
    tpu.vector_store %arg10[%swap3A, %swap3A_27, %swap3A_28], %swap3A_31 {strides = array<i32>} : memref<1x16x1024xf32, #tpu.memory_space<vmem>>, vector<1x16x1024xf32>,
    %get3A_32 = arith.constant 0 : index
    %get3A_33 = arith.constant 0 : index
    %get3A_34 = vector.load %arg6[%get3A_32, %get3A_33] : memref<16x16xf32, #tpu.memory_space<vmem>>, vector<16x16xf32>
    %get3A_35 = arith.constant 0 : index
    %get3A_36 = arith.constant 0 : index
    %get3A_37 = vector.load %arg7[%get3A_35, %get3A_36] : memref<16x1xf32, #tpu.memory_space<vmem>>, vector<16x1xf32>
    %get3A_38 = arith.constant 0 : index
    %get3A_39 = arith.constant 0 : index
    %get3A_40 = vector.load %arg8[%get3A_38, %get3A_39] : memref<16x16xf32, #tpu.memory_space<vmem>>, vector<16x16xf32>
    %get3A_41 = arith.constant 0 : index
    %get3A_42 = arith.constant 0 : index
    %get3A_43 = vector.load %arg9[%get3A_41, %get3A_42] : memref<16x1xf32, #tpu.memory_space<vmem>>, vector<16x1xf32>
    %dot_general3A_44 = arith.constant dense<0.000000e+00> : vector<16x1024xf32>
    %dot_general3A_45 = tpu.matmul %get3A_34, %get3A_3, %dot_general3A_44 {dimension_numbers = #tpu.dot_dimension_numbers<[0], [0], [1], [1], [0, 1, 1, 1], [], []>, transpose_lhs_hint = false} : vector<16x16xf32>, vector<16x1024xf32>, vector<16x1024xf32> -> vector<16x1024xf32>
    %add3A_46 = vector.broadcast %get3A_37 : vector<16x1xf32> to vector<16x1024xf32>
    %add3A_47 = arith.addf %dot_general3A_45, %add3A_46 : vector<16x1024xf32>
    %max3A_48 = arith.constant 0.000000e+00 : f32
    %max3A_49 = vector.broadcast %max3A_48 : f32 to vector<16x1024xf32>
    %max3A_50 = arith.maximumf %add3A_47, %max3A_49 : vector<16x1024xf32>
    %dot_general3A_51 = arith.constant dense<0.000000e+00> : vector<16x1024xf32>
    %dot_general3A_52 = tpu.matmul %get3A_40, %max3A_50, %dot_general3A_51 {dimension_numbers = #tpu.dot_dimension_numbers<[0], [0], [1], [1], [0, 1, 1, 1], [], []>, transpose_lhs_hint = false} : vector<16x16xf32>, vector<16x1024xf32>, vector<16x1024xf32> -> vector<16x1024xf32>
    %add3A_53 = vector.broadcast %get3A_43 : vector<16x1xf32> to vector<16x1024xf32>
    %add3A_54 = arith.addf %dot_general3A_52, %add3A_53 : vector<16x1024xf32>
    %max3A_55 = arith.constant 0.000000e+00 : f32
    %max3A_56 = vector.broadcast %max3A_55 : f32 to vector<16x1024xf32>
    %max3A_57 = arith.maximumf %add3A_54, %max3A_56 : vector<16x1024xf32>
    %transpose3A = tpu.transpose %max3A_57, [1, 0] : vector<16x1024xf32> -> vector<1024x16xf32>
    %swap3A_58 = arith.constant 0 : index
    %swap3A_59 = arith.constant 0 : index
    %swap3A_60 = arith.constant 0 : index
    %swap3A_61 = vector.load %arg11[%swap3A_58, %swap3A_59, %swap3A_60] : memref<1x1024x16xf32, #tpu.memory_space<vmem>>, vector<1x1024x16xf32>
    %swap3A_62 = vector.shape_cast %swap3A_61 : vector<1x1024x16xf32> to vector<1024x16xf32>
    %swap3A_63 = vector.shape_cast %transpose3A : vector<1024x16xf32> to vector<1x1024x16xf32>
    tpu.vector_store %arg11[%swap3A_58, %swap3A_59, %swap3A_60], %swap3A_63 {strides = array<i32>} : memref<1x1024x16xf32, #tpu.memory_space<vmem>>, vector<1x1024x16xf32>,
    return
  }
  func.func @transform_0(%arg0: i32) -> (i32, i32, i32) {
    %c0_i32 = arith.constant 0 : i32
    %c0_i32_0 = arith.constant 0 : i32
    %c0_i32_1 = arith.constant 0 : i32
    return %arg0, %c0_i32, %c0_i32_0 : i32, i32, i32
  }
  func.func @transform_1(%arg0: i32) -> (i32, i32) {
    %c0_i32 = arith.constant 0 : i32
    %c0_i32_0 = arith.constant 0 : i32
    %c0_i32_1 = arith.constant 0 : i32
    return %c0_i32, %c0_i32_0 : i32, i32
  }
  func.func @transform_2(%arg0: i32) -> (i32, i32) {
    %c0_i32 = arith.constant 0 : i32
    %c0_i32_0 = arith.constant 0 : i32
    %c0_i32_1 = arith.constant 0 : i32
    return %c0_i32, %c0_i32_0 : i32, i32
  }
  func.func @transform_3(%arg0: i32) -> (i32, i32) {
    %c0_i32 = arith.constant 0 : i32
    %c0_i32_0 = arith.constant 0 : i32
    %c0_i32_1 = arith.constant 0 : i32
    return %c0_i32, %c0_i32_0 : i32, i32
  }
  func.func @transform_4(%arg0: i32) -> (i32, i32) {
    %c0_i32 = arith.constant 0 : i32
    %c0_i32_0 = arith.constant 0 : i32
    %c0_i32_1 = arith.constant 0 : i32
    return %c0_i32, %c0_i32_0 : i32, i32
  }
  func.func @transform_5(%arg0: i32) -> (i32, i32) {
    %c0_i32 = arith.constant 0 : i32
    %c0_i32_0 = arith.constant 0 : i32
    %c0_i32_1 = arith.constant 0 : i32
    return %c0_i32, %c0_i32_0 : i32, i32
  }
  func.func @transform_6(%arg0: i32) -> (i32, i32) {
    %c0_i32 = arith.constant 0 : i32
    %c0_i32_0 = arith.constant 0 : i32
    %c0_i32_1 = arith.constant 0 : i32
    return %c0_i32, %c0_i32_0 : i32, i32
  }
  func.func @transform_7(%arg0: i32) -> (i32, i32) {
    %c0_i32 = arith.constant 0 : i32
    %c0_i32_0 = arith.constant 0 : i32
    %c0_i32_1 = arith.constant 0 : i32
    return %c0_i32, %c0_i32_0 : i32, i32
  }
  func.func @transform_8(%arg0: i32) -> (i32, i32) {
    %c0_i32 = arith.constant 0 : i32
    %c0_i32_0 = arith.constant 0 : i32
    %c0_i32_1 = arith.constant 0 : i32
    return %c0_i32, %c0_i32_0 : i32, i32
  }
  func.func @transform_9(%arg0: i32) -> (i32, i32, i32) {
    %c0_i32 = arith.constant 0 : i32
    %c0_i32_0 = arith.constant 0 : i32
    %c0_i32_1 = arith.constant 0 : i32
    return %arg0, %c0_i32, %c0_i32_0 : i32, i32, i32
  }
  func.func @transform_10(%arg0: i32) -> (i32, i32, i32) {
    %c0_i32 = arith.constant 0 : i32
    %c0_i32_0 = arith.constant 0 : i32
    %c0_i32_1 = arith.constant 0 : i32
    return %arg0, %c0_i32, %c0_i32_0 : i32, i32, i32
  }
}

module attributes {stable_mosaic.version = 14 : i64} {
  func.func @_post_body(%arg0: i32, %arg1: memref<256x272xf32, #tpu.memory_space<vmem>>, %arg2: memref<256x16xf32, #tpu.memory_space<vmem>>, %arg3: memref<256x16xf32, #tpu.memory_space<vmem>>) attributes {dimension_semantics = [#tpu.dimension_semantics<arbitrary>], iteration_bounds = array<i64: 8>, scalar_prefetch = 0 : i64, scratch_operands = 0 : i64, tpu.core_type = #tpu.core_type<tc>, window_params = [{transform_indices = @transform_0, window_bounds = array<i64: 256, 272>}, {transform_indices = @transform_1, window_bounds = array<i64: 256, 16>}, {transform_indices = @transform_2, window_bounds = array<i64: 256, 16>}]} {
    %get3A = arith.constant 0 : index
    %get3A_0 = arith.constant 0 : index
    %get3A_1 = vector.load %arg1[%get3A, %get3A_0] : memref<256x272xf32, #tpu.memory_space<vmem>>, vector<256x272xf32>
    %iota3A = tpu.iota {dimensions = array<i32: 0>} : vector<272x17xi32>
    %jit3A = arith.constant 16 : i32
    %div3A = vector.broadcast %jit3A : i32 to vector<272x17xi32>
    %div3A_2 = arith.divsi %iota3A, %div3A : vector<272x17xi32>
    %sign3A = arith.constant 0 : i32
    %sign3A_3 = vector.broadcast %sign3A : i32 to vector<272x17xi32>
    %sign3A_4 = arith.cmpi sgt, %iota3A, %sign3A_3 : vector<272x17xi32>
    %sign3A_5 = arith.extui %sign3A_4 : vector<272x17xi1> to vector<272x17xi32>
    %sign3A_6 = arith.constant 0 : i32
    %sign3A_7 = vector.broadcast %sign3A_6 : i32 to vector<272x17xi32>
    %sign3A_8 = arith.cmpi slt, %iota3A, %sign3A_7 : vector<272x17xi32>
    %sign3A_9 = arith.extui %sign3A_8 : vector<272x17xi1> to vector<272x17xi32>
    %sign3A_10 = arith.subi %sign3A_5, %sign3A_9 : vector<272x17xi32>
    %sign3A_11 = arith.constant 0 : i32
    %sign3A_12 = arith.cmpi sgt, %jit3A, %sign3A_11 : i32
    %sign3A_13 = arith.extui %sign3A_12 : i1 to i32
    %sign3A_14 = arith.constant 0 : i32
    %sign3A_15 = arith.cmpi slt, %jit3A, %sign3A_14 : i32
    %sign3A_16 = arith.extui %sign3A_15 : i1 to i32
    %sign3A_17 = arith.subi %sign3A_13, %sign3A_16 : i32
    %ne3A = vector.broadcast %sign3A_17 : i32 to vector<272x17xi32>
    %ne3A_18 = arith.cmpi ne, %sign3A_10, %ne3A : vector<272x17xi32>
    %rem3A = vector.broadcast %jit3A : i32 to vector<272x17xi32>
    %rem3A_19 = arith.remsi %iota3A, %rem3A : vector<272x17xi32>
    %ne3A_20 = arith.constant 0 : i32
    %ne3A_21 = vector.broadcast %ne3A_20 : i32 to vector<272x17xi32>
    %ne3A_22 = arith.cmpi ne, %rem3A_19, %ne3A_21 : vector<272x17xi32>
    %and3A = arith.andi %ne3A_18, %ne3A_22 : vector<272x17xi1>
    %sub3A = arith.constant 1 : i32
    %sub3A_23 = vector.broadcast %sub3A : i32 to vector<272x17xi32>
    %sub3A_24 = arith.subi %div3A_2, %sub3A_23 : vector<272x17xi32>
    %select_n3A = arith.select %and3A, %sub3A_24, %div3A_2 : vector<272x17xi1>, vector<272x17xi32>
    %iota3A_25 = tpu.iota {dimensions = array<i32: 1>} : vector<272x17xi32>
    %eq3A = arith.cmpi eq, %select_n3A, %iota3A_25 : vector<272x17xi32>
    %convert_element_type3A = arith.extui %eq3A : vector<272x17xi1> to vector<272x17xi32>
    %convert_element_type3A_26 = arith.sitofp %convert_element_type3A : vector<272x17xi32> to vector<272x17xf32>
    %dot_general3A = arith.constant dense<0.000000e+00> : vector<256x17xf32>
    %dot_general3A_27 = tpu.matmul %get3A_1, %convert_element_type3A_26, %dot_general3A {dimension_numbers = #tpu.dot_dimension_numbers<[1], [0], [0], [1], [0, 0, 1, 1], [], []>, transpose_lhs_hint = false} : vector<256x272xf32>, vector<272x17xf32>, vector<256x17xf32> -> vector<256x17xf32>
    %slice3A = vector.extract_strided_slice %dot_general3A_27 {offsets = [0, 0], sizes = [256, 16], strides = [1, 1]} : vector<256x17xf32> to vector<256x16xf32>
    %slice3A_28 = vector.extract_strided_slice %dot_general3A_27 {offsets = [0, 16], sizes = [256, 1], strides = [1, 1]} : vector<256x17xf32> to vector<256x1xf32>
    %add3A = arith.constant 1.000000e-10 : f32
    %add3A_29 = vector.broadcast %add3A : f32 to vector<256x1xf32>
    %add3A_30 = arith.addf %slice3A_28, %add3A_29 : vector<256x1xf32>
    %div3A_31 = vector.broadcast %add3A_30 : vector<256x1xf32> to vector<256x16xf32>
    %div3A_32 = arith.divf %slice3A, %div3A_31 : vector<256x16xf32>
    %get3A_33 = arith.constant 0 : index
    %get3A_34 = arith.constant 0 : index
    %get3A_35 = vector.load %arg2[%get3A_33, %get3A_34] : memref<256x16xf32, #tpu.memory_space<vmem>>, vector<256x16xf32>
    %add3A_36 = arith.addf %div3A_32, %get3A_35 : vector<256x16xf32>
    %swap3A = arith.constant 0 : index
    %swap3A_37 = arith.constant 0 : index
    %swap3A_38 = vector.load %arg3[%swap3A, %swap3A_37] : memref<256x16xf32, #tpu.memory_space<vmem>>, vector<256x16xf32>
    tpu.vector_store %arg3[%swap3A, %swap3A_37], %add3A_36 {strides = array<i32>} : memref<256x16xf32, #tpu.memory_space<vmem>>, vector<256x16xf32>,
    return
  }
  func.func @transform_0(%arg0: i32) -> (i32, i32) {
    %c0_i32 = arith.constant 0 : i32
    %c0_i32_0 = arith.constant 0 : i32
    return %arg0, %c0_i32 : i32, i32
  }
  func.func @transform_1(%arg0: i32) -> (i32, i32) {
    %c0_i32 = arith.constant 0 : i32
    %c0_i32_0 = arith.constant 0 : i32
    return %arg0, %c0_i32 : i32, i32
  }
  func.func @transform_2(%arg0: i32) -> (i32, i32) {
    %c0_i32 = arith.constant 0 : i32
    %c0_i32_0 = arith.constant 0 : i32
    return %arg0, %c0_i32 : i32, i32
  }
}

</mosaic_0001>

<sc_bundles>
// kernel: kernel.5.cloned.1.call-start
scs
__scs_entry_jumppad:
0x0: {  	(pc) =	sbr.rel $0x88, $3  }
0x1: {  	(tag) =	ssettag $0x0;
	lr =	simm.s32 $0x1  }
0x2: {  	[smem:$0x3F96] =	sst lr;
	_ =	strace $0xD0000000  }
0x3: {  	_ = 	snop  }
0x4: {  	_ = 	snop  }
0x5: {  	_ = 	snop  }
0x6: {  	_ = 	snop  }
0x7: {  	_ = 	snop  }
__scs_overlays_trampoline_lowered:
0x8: {  	[smem:$0x3FA5] =	sst s0  }
0x9: {  	[smem:$0x3FA6] =	sst s1  }
0xa: {  	[smem:$0x3FA7] =	sst s2  }
0xb: {  	[smem:$0x3FA8] =	sst s3  }
0xc: {  	[smem:$0x3FA9] =	sst s4  }
0xd: {  	[smem:$0x3FAA] =	sst s5  }
0xe: {  	[smem:$0x3FAB] =	sst s6  }
0xf: {  	[smem:$0x3FAC] =	sst s7  }
0x10: {  	[smem:$0x3FAD] =	sst s8  }
0x11: {  	[smem:$0x3FAE] =	sst s9;
	s0 =	simm.s32 @!p0 $0x0  }
0x12: {  	s1 =	sld [smem:$0x3F94];
	s0 =	simm.s32 @p0 $0x1  }
0x13: {  	[smem:$0x3FAF] =	sst s0;
	s0 =	simm.s32 @!p1 $0x0  }
0x14: {  	s2 =	sld [smem:$0x3F93];
	s0 =	simm.s32 @p1 $0x1  }
0x15: {  	[smem:$0x3FB0] =	sst s0;
	s0 =	simm.s32 @!p2 $0x0  }
0x16: {  	s3 =	sld [smem:$0x3FDB];
	s0 =	simm.s32 @p2 $0x1  }
0x17: {  	s4 =	simm.s32 $0x1BF5;
	[smem:$0x3FB2] =	sst s0  }
0x18: {  	s0 =	sld [smem:$0x3F95];
	_ =	swait.ge [sflag:s4], $0x0  }
0x19: {  	s7 =	sld [smem:$0x3F96]  }
0x1a: {  	s8 =	sadd.s32 $0xFFFFE003, lr  }
0x1b: {  	s9 =	sadd.s32 $0xFFFFFEF7, lr;
	s5 =	simm.s32 $0xFFFFFFFF;
	p2 =	slt.u32 s8, $0xFFFFF086  }
0x1c: {  	p1 =	slt.u32 s9, $0xF7A;
	s5 =	simm.s32 @!p2 $0x0  }
0x1d: {  	s5 =	simm.s32 @p1 $0x1;
	p0 =	seq.s32 s7, s2  }
0x1e: {  	s7 =	smul.u32 @!p0 $0xF7A, s2;
	p2 =	seq.s32 @!p0 s5, $0x0  }
0x1f: {  	s9 =	smul.u32 $0xF7A, s1;
	s8 =	simm.s32 @!p0 $0x1BF5;
	p2 =	por !p2, p0  }
0x20: {  	[sflag:s8] =	ssyncset.s32 @!p0 $0xFFFFF086;
	s6 =	sadd.s32 @!p0 s3, s7;
	s7 =	simm.s32 @!p0 $0x108  }
0x21: {  	s3 =	sadd.s32 s3, s9;
	s6 =	sadd.s32 @!p0 $0x88, s6;
	s7 =	simm.s32 @p2 $0x1082  }
0x22: {  	[simem:s7], [sflag:s8] =	dma.local @!p0 [hbm:s6], $0xF7A  }
0x23: {  	s9 =	sor.u32 $0xD0000000, s2;
	s6 =	simm.s32 $0x108;
	_ =	swait.ge @!p0 [sflag:s8], $0x0  }
0x24: {  	s3 =	sadd.s32 $0x88, s3;
	s6 =	simm.s32 @!p1 $0x1082;
	[sflag:s4] =	ssyncset.s32 $0xFFFFF086  }
0x25: {  	[simem:s6], [sflag:s4] =	dma.local [hbm:s3], $0xF7A  }
0x26: {  	[smem:$0x3F96] =	sst s1;
	(tag) =	ssettag s2;
	_ =	strace s9  }
0x27: {  	s1 =	sld [smem:$0x3FA6]  }
0x28: {  	s2 =	sld [smem:$0x3FA7]  }
0x29: {  	s4 =	sld [smem:$0x3FA9]  }
0x2a: {  	p0 =	seq.s32 s5, $0x0;
	s5 =	sld [smem:$0x3FAA]  }
0x2b: {  	s6 =	sld [smem:$0x3FAB]  }
0x2c: {  	s7 =	sld [smem:$0x3FAC]  }
0x2d: {  	s3 =	simm.s32 $0x108;
	s8 =	sld [smem:$0x3FAD]  }
0x2e: {  	s3 =	simm.s32 @!p0 $0x1082;
	s9 =	sld [smem:$0x3FAE]  }
0x2f: {  	lr =	sadd.s32 s0, s3;
	s0 =	sld [smem:$0x3FA5]  }
0x30: {  	s3 =	sld [smem:$0x3FA8]  }
0x31: {  	[smem:$0x3FB1] =	sst s10  }
0x32: {  	s10 =	sld [smem:$0x3FAF];
	_ =	sdelay $0x3  }
0x33: {  	p0 =	seq.s32 s10, $0x1;
	s10 =	sld [smem:$0x3FB1];
	_ =	sdelay $0x3  }
0x34: {  	[smem:$0x3FB1] =	sst s10  }
0x35: {  	s10 =	sld [smem:$0x3FB0];
	_ =	sdelay $0x3  }
0x36: {  	p1 =	seq.s32 s10, $0x1;
	s10 =	sld [smem:$0x3FB1];
	_ =	sdelay $0x3  }
0x37: {  	[smem:$0x3FB1] =	sst s10  }
0x38: {  	s10 =	sld [smem:$0x3FB2]  }
0x39: {  	_ = 	snop;
	(pc) =	sbr.ind lr, $3  }
0x3a: {  	_ = 	snop  }
0x3b: {  	_ = 	snop  }
0x3c: {  	p2 =	seq.s32 s10, $0x1;
	s10 =	sld [smem:$0x3FB1]  }
0x3d: {  	_ =	shalt  }
0x3e: {  	_ =	shalt  }
0x3f: {  	_ =	shalt  }
0x40: {  	_ =	shalt  }
0x41: {  	_ =	shalt  }
0x42: {  	_ =	shalt  }
0x43: {  	_ =	shalt  }
0x44: {  	_ =	shalt  }
0x45: {  	_ =	shalt  }
0x46: {  	_ =	shalt  }
0x47: {  	_ =	shalt  }
0x48: {  	_ =	shalt  }
0x49: {  	_ =	shalt  }
0x4a: {  	_ =	shalt  }
0x4b: {  	_ =	shalt  }
0x4c: {  	_ =	shalt  }
0x4d: {  	_ =	shalt  }
0x4e: {  	_ =	shalt  }
0x4f: {  	_ =	shalt  }
0x50: {  	_ =	shalt  }
0x51: {  	_ =	shalt  }
0x52: {  	_ =	shalt  }
0x53: {  	_ =	shalt  }
0x54: {  	_ =	shalt  }
0x55: {  	_ =	shalt  }
0x56: {  	_ =	shalt  }
0x57: {  	_ =	shalt  }
0x58: {  	_ =	shalt  }
0x59: {  	_ =	shalt  }
0x5a: {  	_ =	shalt  }
0x5b: {  	_ =	shalt  }
0x5c: {  	_ =	shalt  }
0x5d: {  	_ =	shalt  }
0x5e: {  	_ =	shalt  }
0x5f: {  	_ =	shalt  }
0x60: {  	_ =	shalt  }
0x61: {  	_ =	shalt  }
0x62: {  	_ =	shalt  }
0x63: {  	_ =	shalt  }
0x64: {  	_ =	shalt  }
0x65: {  	_ =	shalt  }
0x66: {  	_ =	shalt  }
0x67: {  	_ =	shalt  }
0x68: {  	_ =	shalt  }
0x69: {  	_ =	shalt  }
0x6a: {  	_ =	shalt  }
0x6b: {  	_ =	shalt  }
0x6c: {  	_ =	shalt  }
0x6d: {  	_ =	shalt  }
0x6e: {  	_ =	shalt  }
0x6f: {  	_ =	shalt  }
0x70: {  	_ =	shalt  }
0x71: {  	_ =	shalt  }
0x72: {  	_ =	shalt  }
0x73: {  	_ =	shalt  }
0x74: {  	_ =	shalt  }
0x75: {  	_ =	shalt  }
0x76: {  	_ =	shalt  }
0x77: {  	_ =	shalt  }
0x78: {  	_ =	shalt  }
0x79: {  	_ =	shalt  }
0x7a: {  	_ =	shalt  }
0x7b: {  	_ =	shalt  }
0x7c: {  	_ =	shalt  }
0x7d: {  	_ =	shalt  }
0x7e: {  	_ =	shalt  }
0x7f: {  	_ =	shalt  }
0x80: {  	_ =	shalt  }
0x81: {  	_ =	shalt  }
0x82: {  	_ =	shalt  }
0x83: {  	_ =	shalt  }
0x84: {  	_ =	shalt  }
0x85: {  	_ =	shalt  }
0x86: {  	_ =	shalt  }
0x87: {  	_ =	shalt  }
.Lfunc_end0:
.L_simem_size_0:
called_computation_lowered:
.L_overlay_start_0:
0x88: {  	s2 =	sld [smem:$0x3FD9]  }
0x89: {  	s3 =	sld [smem:$0x3FFE];
	_ =	sdelay $0x1  }
0x8a: {  	s1 =	srdreg.scid  }
0x8b: {  	s0 =	sand.u32 $0x1, s1  }
0x8c: {  	s14 =	sshll.u32 s0, $0xA;
	s2 =	sadd.s32 s3, s2  }
0x8d: {  	s2 =	sadd.s32 s2, s14  }
0x8e: {  	[smem:$0x3FBD] =	sst s2  }
0x8f: {  	_ = 	snop  }
0x90: {  	s2 =	sld [smem:$0x3FD0];
	_ =	sdelay $0x1  }
0x91: {  	s15 =	sld [smem:$0x3FC9]  }
0x92: {  	s5 =	simm.s32 $0xA;
	s6 =	simm.s32 $0x10;
	s4 =	sld [smem:$0x3FC8]  }
0x93: {  	[smem:s6], [sflag:s5] =	dma.local [hbm:s2], $0x1  }
0x94: {  	_ =	swait.eq [sflag:s5], $0x1  }
0x95: {  	[sflag:s5] =	ssyncset.done $0x0  }
0x96: {  	s16 =	sld [smem:$0x10];
	[sflag:s5] =	ssyncadd.s32 $0xFFFFFFFF  }
0x97: {  	s17 =	sld [smem:$0x11];
	(tm) =	ssettm $0x1  }
0x98: {  	s18 =	sld [smem:$0x3FFB];
	_ =	sdelay $0x3  }
0x99: {  	_ =	strace s18  }
0x9a: {  	s6 =	sld [smem:$0x3FFC];
	_ =	sdelay $0x3  }
0x9b: {  	_ =	strace s6  }
0x9c: {  	s6 =	sld [smem:$0x3FFD];
	_ =	sdelay $0x3  }
0x9d: {  	_ =	strace s6  }
0x9e: {  	_ =	strace $0x8FFFFFFF  }
0x9f: {  	s19 =	sld [smem:$0x3FDB];
	_ =	sdelay $0x1  }
0xa0: {  	s7 =	simm.s32 $_scs_section_size  }
0xa1: {  	s8 =	simm.s32 $_size__tile_overlayer_lowered;
	s9 =	simm.s32 $_tile_overlayer_lowered  }
0xa2: {  	s22 =	simm.s32 $0x1BFF;
	s21 =	sshll.u32 s9, $0x1;
	s6 =	sadd.s32 s7, s19  }
0xa3: {  	s10 =	simm.s32 $0x0;
	s20 =	sshll.u32 s8, $0x1;
	s8 =	sadd.s32 s21, s6  }
0xa4: {  	[timem:s10], [sflag:s22] =	dma.local [hbm:s8], s20  }
0xa5: {  	_ =	swait.ge [sflag:s22], s20  }
0xa6: {  	s7 =	ssub.s32 $0x0, s20;
	[sflag:s22] =	ssyncset.done $0x0  }
0xa7: {  	[sflag:s22] =	ssyncadd.s32 s7;
	_ =	sdelay $0x1  }
0xa8: {  	s23 =	simm.s32 $0x1B8B  }
0xa9: {  	_ =	swait.ge [sflag:s23], $0x1  }
0xaa: {  	[sflag:s23] =	ssyncset.done $0x0  }
0xab: {  	s25 =	simm.s32 $0x1B8E;
	s24 =	sld [smem:$0x3FFE];
	[sflag:s23] =	ssyncadd.s32 $0xFFFFFFFF  }
0xac: {  	s26 =	simm.s32 $execute0_lowered;
	[smem:$0x3FD2] =	sst s25  }
0xad: {  	s8 =	sshll.u32 s26, $0x1;
	_ =	strace $0x80000046;
	[dreg:$0x1] =	wrdreg $0xFFFFFFFF  }
0xae: {  	s28 =	simm.s32 $_size_execute0_lowered;
	s6 =	sadd.s32 s6, s8;
	[dreg:$0x0] =	wrdreg $0x0  }
0xaf: {  	s8 =	sshll.u32 s28, $0x1;
	[dreg:$0x2] =	wrdreg s6  }
0xb0: {  	[dreg:$0x3] =	wrdreg s8  }
0xb1: {  	[dreg:$0x4] =	wrdreg $0xC0  }
0xb2: {  	_ =	task [dreg:s10], $0x5FFFF  }
0xb3: {  	[dreg:$0x1] =	wrdreg $0xFFFFFFFF  }
0xb4: {  	[dreg:$0x0] =	wrdreg $0x60  }
0xb5: {  	[dreg:$0x2] =	wrdreg s15  }
0xb6: {  	[dreg:$0x3] =	wrdreg s4  }
0xb7: {  	[dreg:$0x4] =	wrdreg s17  }
0xb8: {  	[dreg:$0x5] =	wrdreg s16  }
0xb9: {  	[dreg:$0x6] =	wrdreg s24  }
0xba: {  	[dreg:$0x7] =	wrdreg $0x9  }
0xbb: {  	_ =	task.clear_ibuf [dreg:s10], $0x8FFFF;
	_ =	strace $0x90000046  }
0xbc: {  	s29 =	simm.s32 $0x9;
	_ =	strace $0x80000048  }
0xbd: {  	_ =	swait.ge [sflag:s29], $0x1  }
0xbe: {  	[sflag:s29] =	ssyncadd.s32 $0xFFFFFFFF  }
0xbf: {  	_ =	strace $0x90000048  }
0xc0: {  	_ =	sfence  }
0xc1: {  	s30 =	sld [smem:$0x0];
	_ =	sdelay $0x2  }
0xc2: {  	s31 =	sshll.u32 s1, $0xD;
	s1 =	sshrl.u32 s1, $0x2  }
0xc3: {  	s3 =	sand.u32 $0x4000, s31;
	s1 =	sadd.s32 s1, s30  }
0xc4: {  	s0 =	sor.u32 s3, s0;
	s1 =	sshll.u32 s1, $0x11  }
0xc5: {  	s0 =	sor.u32 s1, s0  }
0xc6: {  	s0 =	sadd.s32 $0x8F2B, s0  }
0xc7: {  	[sflag:s0] =	ssyncadd.remote.s32 $0x1  }
0xc8: {  	_ =	sfence.sel $0xFFFF  }
0xc9: {  	[dreg:$0x0] =	wrdreg $0xFFFFFFFF;
	(pc) =	sbr.abs _section_cstart, $3  }
0xca: {  	[dreg:$0x1] =	wrdreg $0xFFFFFFFF  }
0xcb: {  	_ =	task.clear_ibuf [dreg:s10], $0x2FFFF;
	_ =	strace $0x9FFFFFFF  }
0xcc: {  	(tm) =	ssettm $0x7FFFFFFF  }
0xcd: {  	_ =	shalt  }
tec
execute0_lowered:
.L_overlay_start_1:
0x0: {  	(tag) =	ssettag $0x1  }
0x1: {  	s1 =	rddreg [dreg:$0x0]  }
0x2: {  	s2 =	rddreg [dreg:$0x1]  }
0x3: {  	s0 =	srdreg.scid;
	s3 =	rddreg [dreg:$0x2]  }
0x4: {  	s11 =	stileid.u32;
	s4 =	rddreg [dreg:$0x3]  }
0x5: {  	s7 =	rddreg [dreg:$0x4];
	s16 =	simm.s32 $0x7;
	s30 =	simm.s32 $0x1  }
0x6: {  	s31 =	simm.s32 $0x3;
	s0 =	sand.u32 $0x1, s0;
	s5 =	sshll.u32 s11, $0x7  }
0x7: {  	s18 =	sshll.u32 s11, $0x8;
	s6 =	sshll.u32 s0, $0x6;
	s0 =	ssub.s32 $0x2, s0  }
0x8: {  	s11 =	sand.u32 $0x800, s18;
	s5 =	sor.u32 s6, s5;
	s6 =	simm.s32 $0x0  }
0x9: {  	s9 =	sshrl.u32 s0, $0x1;
	s3 =	sadd.s32 s3, s11;
	s8 =	sshrl.u32 s5, $0x3  }
0xa: {  	[smem:$0x7FF] =	sst s6;
	s0 =	ssub.s32 s0, s9;
	s8 =	smul.u32 $0x180, s8  }
0xb: {  	s19 =	sshll.u32 s5, $0xB;
	_ =	strace $0x80000047;
	[dreg:$0x6] =	wrdreg s3  }
0xc: {  	s0 =	smax.u32 s0, $0x1;
	s10 =	sadd.s32 s8, s7;
	s7 =	sadd.s32 s2, s19  }
0xd: {  	s20 =	sshll.u32 s5, $0x7;
	[dreg:$0x9] =	wrdreg s0;
	s21 =	sadd.s32 $0x800, s7  }
0xe: {  	s8 =	sadd.s32 s1, s20;
	s22 =	sadd.s32 $0x1800, s10;
	[dreg:$0x7] =	wrdreg s21  }
0xf: {  	s15 =	simm.s32 $0x4;
	s23 =	sadd.s32 $0x80, s8;
	[dreg:$0x8] =	wrdreg s22  }
0x10: {  	s17 =	simm.s32 $0x5;
	s24 =	sadd.s32 $0x100, s8;
	[dreg:$0xa] =	wrdreg s23  }
0x11: {  	s12 =	sadd.s32 $0x800, s4;
	s25 =	sadd.s32 $0x180, s8;
	[dreg:$0xb] =	wrdreg s24  }
0x12: {  	s3 =	simm.s32 $0x4000;
	s26 =	sadd.s32 $0x200, s8;
	[dreg:$0xc] =	wrdreg s25  }
0x13: {  	s0 =	simm.s32 $0x2;
	s28 =	sadd.s32 $0x280, s8;
	[dreg:$0xd] =	wrdreg s26  }
0x14: {  	s19 =	simm.s32 $0x6;
	s29 =	sadd.s32 $0x300, s8;
	[dreg:$0xe] =	wrdreg s28  }
0x15: {  	s11 =	sadd.s32 $0x10, s8;
	[dreg:$0xf] =	wrdreg s29;
	s23 =	simm.s32 $0x0  }
.LBB2_1:
0x16: {  	s9 =	rddreg [dreg:$0x6];
	s10 =	simm.s32 $0x8800  }
0x17: {  	[tilespmem:s10], [sflag:$0x7] =	stream.linear.gather [hbm4b:s9+s6], $0x4000, $0x38;
	[tilespmem:$0x12800] =	vst v63  }
0x18: {  	_ =	swait.ge [sflag:s16], $0x4000  }
0x19: {  	[sflag:s16] =	ssyncset.done $0x0  }
0x1a: {  	[sflag:s16] =	ssyncadd.s32 $0xFFFFC000  }
0x1b: {  	[tilespmem:s6], [sflag:$0x1] =	stream.linear.gather [hbm4b:s7+s6], $0x4000, $0x38;
	[tilespmem:$0x12800] =	vst v63  }
0x1c: {  	s21 =	simm.s32 $0x8000  }
0x1d: {  	[tilespmem:s21], [sflag:$0x3] =	stream.linear.gather [hbm4b:s8+s6], $0x80, $0x38;
	[tilespmem:$0x12800] =	vst v63  }
0x1e: {  	s24 =	simm.s32 $0x8100;
	s22 =	rddreg [dreg:$0xa]  }
0x1f: {  	[tilespmem:s24], [sflag:$0x3] =	stream.linear.gather [hbm4b:s22+s6], $0x80, $0x38;
	[tilespmem:$0x12800] =	vst v63  }
0x20: {  	s26 =	simm.s32 $0x8200;
	s25 =	rddreg [dreg:$0xb]  }
0x21: {  	[tilespmem:s26], [sflag:$0x3] =	stream.linear.gather [hbm4b:s25+s6], $0x80, $0x38;
	[tilespmem:$0x12800] =	vst v63  }
0x22: {  	s29 =	simm.s32 $0x8300;
	s28 =	rddreg [dreg:$0xc]  }
0x23: {  	[tilespmem:s29], [sflag:$0x3] =	stream.linear.gather [hbm4b:s28+s6], $0x80, $0x38;
	[tilespmem:$0x12800] =	vst v63  }
0x24: {  	s13 =	simm.s32 $0x8400;
	s10 =	rddreg [dreg:$0xd]  }
0x25: {  	[tilespmem:s13], [sflag:$0x3] =	stream.linear.gather [hbm4b:s10+s6], $0x80, $0x38;
	[tilespmem:$0x12800] =	vst v63  }
0x26: {  	s18 =	simm.s32 $0x8500;
	s14 =	rddreg [dreg:$0xe]  }
0x27: {  	[tilespmem:s18], [sflag:$0x3] =	stream.linear.gather [hbm4b:s14+s6], $0x80, $0x38;
	[tilespmem:$0x12800] =	vst v63  }
0x28: {  	s20 =	rddreg [dreg:$0xf];
	s21 =	simm.s32 $0x8600  }
0x29: {  	[tilespmem:s21], [sflag:$0x3] =	stream.linear.gather [hbm4b:s20+s6], $0x80, $0x38;
	[tilespmem:$0x12800] =	vst v63  }
0x2a: {  	s22 =	sadd.s32 $0x380, s8;
	s24 =	simm.s32 $0x8700  }
0x2b: {  	[tilespmem:s24], [sflag:$0x3] =	stream.linear.gather [hbm4b:s22+s6], $0x80, $0x38;
	[tilespmem:$0x12800] =	vst v63  }
0x2c: {  	s25 =	rddreg [dreg:$0x7]  }
0x2d: {  	[tilespmem:s3], [sflag:$0x2] =	stream.linear.gather [hbm4b:s25+s6], $0x4000, $0x38;
	[tilespmem:$0x12800] =	vst v63  }
0x2e: {  	s26 =	simm.s32 $0x8080  }
0x2f: {  	[tilespmem:s26], [sflag:$0x4] =	stream.linear.gather [hbm4b:s11+s6], $0x80, $0x38;
	[tilespmem:$0x12800] =	vst v63  }
0x30: {  	s28 =	sadd.s32 $0x80, s11;
	s29 =	simm.s32 $0x8180  }
0x31: {  	[tilespmem:s29], [sflag:$0x4] =	stream.linear.gather [hbm4b:s28+s6], $0x80, $0x38;
	[tilespmem:$0x12800] =	vst v63  }
0x32: {  	s10 =	sadd.s32 $0x100, s11;
	s13 =	simm.s32 $0x8280  }
0x33: {  	[tilespmem:s13], [sflag:$0x4] =	stream.linear.gather [hbm4b:s10+s6], $0x80, $0x38;
	[tilespmem:$0x12800] =	vst v63  }
0x34: {  	s14 =	sadd.s32 $0x180, s11;
	s18 =	simm.s32 $0x8380  }
0x35: {  	[tilespmem:s18], [sflag:$0x4] =	stream.linear.gather [hbm4b:s14+s6], $0x80, $0x38;
	[tilespmem:$0x12800] =	vst v63  }
0x36: {  	s20 =	sadd.s32 $0x200, s11;
	s21 =	simm.s32 $0x8480  }
0x37: {  	[tilespmem:s21], [sflag:$0x4] =	stream.linear.gather [hbm4b:s20+s6], $0x80, $0x38;
	[tilespmem:$0x12800] =	vst v63  }
0x38: {  	s22 =	sadd.s32 $0x280, s11;
	s24 =	simm.s32 $0x8580  }
0x39: {  	[tilespmem:s24], [sflag:$0x4] =	stream.linear.gather [hbm4b:s22+s6], $0x80, $0x38;
	[tilespmem:$0x12800] =	vst v63  }
0x3a: {  	s25 =	sadd.s32 $0x300, s11;
	s26 =	simm.s32 $0x8680  }
0x3b: {  	[tilespmem:s26], [sflag:$0x4] =	stream.linear.gather [hbm4b:s25+s6], $0x80, $0x38;
	[tilespmem:$0x12800] =	vst v63  }
0x3c: {  	s28 =	sadd.s32 $0x380, s11;
	s29 =	simm.s32 $0x8780;
	s25 =	simm.s32 $0x0  }
0x3d: {  	[tilespmem:s29], [sflag:$0x4] =	stream.linear.gather [hbm4b:s28+s6], $0x80, $0x38;
	[tilespmem:$0x12800] =	vst v63  }
.LBB2_2:
0x3e: {  	_ =	swait.ge [sflag:s30], $0x4000  }
0x3f: {  	[sflag:s30] =	ssyncset.done $0x0  }
0x40: {  	s9 =	simm.s32 $0x0;
	[sflag:s30] =	ssyncadd.s32 $0xFFFFC000  }
0x41: {  	s10 =	sand.u32 $0x1C00, s9;
	s13 =	sand.u32 $0xFFFFFC00, s9;
	_ =	swait.ge [sflag:s31], $0x400  }
0x42: {  	s9 =	sand.u32 $0x70, s9;
	s14 =	sshrl.u32 s10, $0x2;
	[sflag:s31] =	ssyncset.done $0x0  }
0x43: {  	s13 =	sadd.s32 $0x0, s13;
	s14 =	sor.u32 s9, s14;
	[sflag:s31] =	ssyncadd.s32 $0xFFFFFC00  }
0x44: {  	s28 =	sor.u32 $0x2380, s13;
	v2 =	vld [tilespmem:s14+$0x8000]  }
0x45: {  	s13 =	sor.u32 $0x380, s13;
	v0 =	vld [tilespmem:s28+$0x0]  }
0x46: {  	v1 =	vld [tilespmem:s13+$0x0]  }
0x47: {  	s9 =	sor.u32 s9, s10;
	v3 =	vld [tilespmem:s28+$0x8800]  }
0x48: {  	v4 =	vld [tilespmem:s9+$0x0]  }
0x49: {  	v5 =	vld [tilespmem:s9+$0x80]  }
0x4a: {  	v6 =	vld [tilespmem:s9+$0x100]  }
0x4b: {  	v7 =	vld [tilespmem:s9+$0x180]  }
0x4c: {  	v8 =	vld [tilespmem:s9+$0x200]  }
0x4d: {  	v9 =	vld [tilespmem:s9+$0x280]  }
0x4e: {  	v10 =	vld [tilespmem:s9+$0x300]  }
0x4f: {  	v11 =	vld [tilespmem:s9+$0x2000]  }
0x50: {  	v12 =	vld [tilespmem:s9+$0x2080]  }
0x51: {  	v13 =	vld [tilespmem:s9+$0x2100]  }
0x52: {  	v14 =	vld [tilespmem:s9+$0x2180]  }
0x53: {  	v15 =	vld [tilespmem:s9+$0x2200]  }
0x54: {  	v16 =	vld [tilespmem:s9+$0x2280]  }
0x55: {  	v17 =	vld [tilespmem:s9+$0x2300];
	v0 =	vmul.f32 v0, v2;
	v1 =	vmul.f32 v1, v2  }
0x56: {  	v23 =	vld [tilespmem:s13+$0x8800];
	v4 =	vmul.f32 v4, v2;
	v5 =	vmul.f32 v5, v2  }
0x57: {  	v24 =	vld [tilespmem:s9+$0x8800];
	v6 =	vmul.f32 v6, v2;
	v7 =	vmul.f32 v7, v2  }
0x58: {  	v25 =	vld [tilespmem:s9+$0x8880];
	v8 =	vmul.f32 v8, v2;
	v26 =	vmul.f32 v9, v2  }
0x59: {  	v9 =	vld [tilespmem:s9+$0x8900];
	v27 =	vmul.f32 v10, v2;
	v11 =	vmul.f32 v11, v2  }
0x5a: {  	v22 =	vmul.f32 v12, v2;
	v21 =	vmul.f32 v13, v2;
	v12 =	vld [tilespmem:s9+$0x8A00]  }
0x5b: {  	v20 =	vmul.f32 v14, v2;
	v18 =	vmul.f32 v16, v2;
	v16 =	vld [tilespmem:s9+$0xA800]  }
0x5c: {  	v28 =	vld [tilespmem:s9+$0x8980];
	v19 =	vmul.f32 v15, v2;
	v3 =	vmul.f32 v3, v0  }
0x5d: {  	v10 =	vimm.f32 $0.0e+00;
	v13 =	vld [tilespmem:s9+$0x8A80];
	v17 =	vmul.f32 v17, v2;
	v14 =	vmul.f32 v23, v1  }
0x5e: {  	v15 =	vld [tilespmem:s9+$0x8B00];
	v0 =	vadd.f32 v2, v10;
	v1 =	vadd.f32 v3, v10;
	v3 =	vmul.f32 v24, v4  }
0x5f: {  	v4 =	vmul.f32 v25, v5;
	v2 =	vadd.f32 v14, v10;
	v5 =	vmul.f32 v9, v6  }
0x60: {  	v14 =	vimm.f32 $0.0e+00;
	v12 =	vmul.f32 v12, v8;
	v29 =	vmul.f32 v16, v11  }
0x61: {  	v25 =	vld [tilespmem:s9+$0xA880];
	v16 =	vimm.f32 $0.0e+00;
	v11 =	vimm.f32 $0.0e+00;
	v9 =	vadd.f32 v3, v10  }
0x62: {  	v23 =	vld [tilespmem:s9+$0xA900];
	v3 =	vmul.f32 v28, v7;
	v8 =	vadd.f32 v4, v10;
	v4 =	vmul.f32 v13, v26  }
0x63: {  	s29 =	simm.s32 $0x80;
	v24 =	vld [tilespmem:s9+$0xA980];
	v28 =	vmul.f32 v15, v27;
	v15 =	vimm.f32 $0.0e+00;
	v13 =	vimm.f32 $0.0e+00  }
0x64: {  	s20 =	sand.u32 $0xFFFFFC00, s29;
	s10 =	simm.s32 $0x10;
	s14 =	sand.u32 $0x1C00, s29;
	v26 =	vld [tilespmem:s9+$0xAA00];
	v7 =	vadd.f32 v5, v10;
	v5 =	vadd.f32 v12, v10;
	v12 =	vimm.f32 $0.0e+00  }
0x65: {  	s18 =	sand.u32 $0x70, s10;
	s13 =	simm.s32 $0x100;
	s21 =	sshrl.u32 s14, $0x2;
	v27 =	vld [tilespmem:s9+$0xAA80];
	v6 =	vadd.f32 v3, v10;
	v4 =	vadd.f32 v4, v10;
	v3 =	vimm.f32 $0.0e+00  }
.LBB2_3:
0x66: {  	p0 =	sne.s32 s13, $0x1F80;
	s20 =	sadd.s32 s20, s10;
	s21 =	sor.u32 s18, s21;
	v10 =	vadd.f32 v28, v10;
	v22 =	vmul.f32 v25, v22;
	v25 =	vld [tilespmem:s9+$0xAB00]  }
0x67: {  	s9 =	sor.u32 s18, s14;
	v28 =	vld [tilespmem:s21+$0x8000];
	s14 =	sor.u32 $0x380, s20;
	s18 =	sor.u32 $0x2380, s20;
	v15 =	vadd.f32 v29, v15;
	v21 =	vmul.f32 v23, v21  }
0x68: {  	v23 =	vld [tilespmem:s18+$0x0];
	v16 =	vadd.f32 v22, v16;
	v20 =	vmul.f32 v24, v20  }
0x69: {  	v22 =	vld [tilespmem:s14+$0x0];
	v14 =	vadd.f32 v21, v14;
	v19 =	vmul.f32 v26, v19  }
0x6a: {  	v21 =	vld [tilespmem:s18+$0x8800];
	v12 =	vadd.f32 v20, v12;
	v18 =	vmul.f32 v27, v18  }
0x6b: {  	v20 =	vld [tilespmem:s9+$0x0];
	v13 =	vadd.f32 v19, v13;
	v17 =	vmul.f32 v25, v17  }
0x6c: {  	v0 =	vadd.f32 v28, v0;
	v19 =	vld [tilespmem:s9+$0x80];
	v11 =	vadd.f32 v18, v11  }
0x6d: {  	v18 =	vld [tilespmem:s9+$0x100];
	v23 =	vmul.f32 v23, v28;
	v3 =	vadd.f32 v17, v3  }
0x6e: {  	v17 =	vld [tilespmem:s9+$0x180];
	v24 =	vmul.f32 v22, v28  }
0x6f: {  	v22 =	vld [tilespmem:s9+$0x200];
	v21 =	vmul.f32 v21, v23  }
0x70: {  	v23 =	vmul.f32 v20, v28;
	v20 =	vld [tilespmem:s9+$0x280]  }
0x71: {  	v25 =	vmul.f32 v19, v28;
	v19 =	vld [tilespmem:s9+$0x300];
	v1 =	vadd.f32 v21, v1  }
0x72: {  	v26 =	vmul.f32 v18, v28;
	v18 =	vld [tilespmem:s9+$0x2000]  }
0x73: {  	v27 =	vmul.f32 v17, v28;
	v17 =	vld [tilespmem:s9+$0x2080]  }
0x74: {  	v29 =	vmul.f32 v22, v28;
	v21 =	vld [tilespmem:s9+$0x2100]  }
0x75: {  	v30 =	vmul.f32 v20, v28;
	v20 =	vld [tilespmem:s9+$0x2180]  }
0x76: {  	v31 =	vmul.f32 v19, v28;
	v19 =	vld [tilespmem:s9+$0x2200]  }
0x77: {  	v32 =	vmul.f32 v18, v28;
	v18 =	vld [tilespmem:s9+$0x2280]  }
0x78: {  	v22 =	vmul.f32 v17, v28;
	v17 =	vld [tilespmem:s9+$0x2300]  }
0x79: {  	v33 =	vld [tilespmem:s14+$0x8800];
	v21 =	vmul.f32 v21, v28  }
0x7a: {  	v34 =	vld [tilespmem:s9+$0x8800];
	v20 =	vmul.f32 v20, v28  }
0x7b: {  	v35 =	vld [tilespmem:s9+$0x8880];
	v19 =	vmul.f32 v19, v28  }
0x7c: {  	v36 =	vld [tilespmem:s9+$0x8900];
	v18 =	vmul.f32 v18, v28  }
0x7d: {  	v37 =	vld [tilespmem:s9+$0x8980];
	v17 =	vmul.f32 v17, v28  }
0x7e: {  	v28 =	vld [tilespmem:s9+$0x8A00];
	v24 =	vmul.f32 v33, v24  }
0x7f: {  	v23 =	vmul.f32 v34, v23;
	v33 =	vld [tilespmem:s9+$0x8A80]  }
0x80: {  	v25 =	vmul.f32 v35, v25;
	v34 =	vld [tilespmem:s9+$0x8B00];
	v2 =	vadd.f32 v24, v2  }
0x81: {  	v9 =	vadd.f32 v23, v9;
	v23 =	vmul.f32 v36, v26;
	v35 =	vld [tilespmem:s9+$0xA800]  }
.Ltmp0:
0x82: {  	v8 =	vadd.f32 v25, v8;
	v24 =	vmul.f32 v37, v27;
	v25 =	vld [tilespmem:s9+$0xA880];
	(pc) =	sbr.rel @p0 .LBB2_3-.Ltmp0, $4  }
0x83: {  	v7 =	vadd.f32 v23, v7;
	v26 =	vmul.f32 v28, v29;
	v23 =	vld [tilespmem:s9+$0xA900]  }
0x84: {  	v6 =	vadd.f32 v24, v6;
	v27 =	vmul.f32 v33, v30;
	v24 =	vld [tilespmem:s9+$0xA980]  }
0x85: {  	s10 =	sadd.s32 $0x10, s10;
	s20 =	sand.u32 $0xFFFFFC00, s13;
	s14 =	sand.u32 $0x1C00, s13;
	v5 =	vadd.f32 v26, v5;
	v28 =	vmul.f32 v34, v31;
	v26 =	vld [tilespmem:s9+$0xAA00]  }
0x86: {  	s18 =	sand.u32 $0x70, s10;
	s13 =	sadd.s32 $0x80, s13;
	s21 =	sshrl.u32 s14, $0x2;
	v4 =	vadd.f32 v27, v4;
	v29 =	vmul.f32 v35, v32;
	v27 =	vld [tilespmem:s9+$0xAA80]  }
0x87: {  	s13 =	sor.u32 s18, s21;
	v30 =	vld [tilespmem:s9+$0xAB00]  }
0x88: {  	s14 =	sor.u32 s18, s14;
	v31 =	vld [tilespmem:s13+$0x8000]  }
0x89: {  	v35 =	vld [tilespmem:s14+$0x0]  }
0x8a: {  	v36 =	vld [tilespmem:s14+$0x80]  }
0x8b: {  	v37 =	vld [tilespmem:s14+$0x100]  }
0x8c: {  	v38 =	vld [tilespmem:s14+$0x180]  }
0x8d: {  	v39 =	vld [tilespmem:s14+$0x200]  }
0x8e: {  	v40 =	vld [tilespmem:s14+$0x280]  }
0x8f: {  	v41 =	vld [tilespmem:s14+$0x300]  }
0x90: {  	v42 =	vld [tilespmem:s14+$0x2000]  }
0x91: {  	v43 =	vld [tilespmem:s14+$0x2080]  }
0x92: {  	v44 =	vld [tilespmem:s14+$0x2100]  }
0x93: {  	v45 =	vld [tilespmem:s14+$0x2180]  }
0x94: {  	v46 =	vld [tilespmem:s14+$0x2200]  }
0x95: {  	v47 =	vld [tilespmem:s14+$0x2280]  }
0x96: {  	v48 =	vld [tilespmem:s14+$0x2300]  }
0x97: {  	v50 =	vld [tilespmem:s14+$0x8800]  }
0x98: {  	v51 =	vld [tilespmem:s14+$0x8880]  }
0x99: {  	v52 =	vld [tilespmem:s14+$0x8900]  }
0x9a: {  	v53 =	vld [tilespmem:s14+$0x8980]  }
0x9b: {  	v54 =	vld [tilespmem:s14+$0x8A00]  }
0x9c: {  	v22 =	vmul.f32 v25, v22;
	v25 =	vld [tilespmem:s14+$0x8A80]  }
0x9d: {  	v21 =	vmul.f32 v23, v21;
	v23 =	vld [tilespmem:s14+$0x8B00]  }
0x9e: {  	s10 =	sadd.s32 s20, s10;
	v10 =	vadd.f32 v28, v10;
	v28 =	vld [tilespmem:s14+$0xAA00]  }
0x9f: {  	s13 =	sor.u32 $0x2380, s10;
	v15 =	vadd.f32 v29, v15;
	v29 =	vld [tilespmem:s14+$0xAA80]  }
0xa0: {  	s10 =	sor.u32 $0x380, s10;
	v32 =	vld [tilespmem:s13+$0x0]  }
0xa1: {  	v33 =	vld [tilespmem:s10+$0x0];
	v16 =	vadd.f32 v22, v16;
	v20 =	vmul.f32 v24, v20;
	v19 =	vmul.f32 v26, v19  }
0xa2: {  	s20 =	sshrl.u32 s25, $0x2;
	v34 =	vld [tilespmem:s13+$0x8800];
	v14 =	vadd.f32 v21, v14;
	v18 =	vmul.f32 v27, v18;
	v21 =	vmul.f32 v35, v31  }
0xa3: {  	s9 =	smul.u32 $0x3000, s20;
	v49 =	vld [tilespmem:s10+$0x8800];
	v12 =	vadd.f32 v20, v12;
	v17 =	vmul.f32 v30, v17;
	v20 =	vmul.f32 v36, v31  }
0xa4: {  	v22 =	vld [tilespmem:s14+$0xA800];
	v13 =	vadd.f32 v19, v13;
	v19 =	vmul.f32 v37, v31;
	v21 =	vmul.f32 v50, v21  }
0xa5: {  	s21 =	sshll.u32 s25, $0x8;
	v24 =	vld [tilespmem:s14+$0xA880];
	s22 =	sshra.s32 s9, $0x2;
	v11 =	vadd.f32 v18, v11;
	v18 =	vmul.f32 v38, v31;
	v20 =	vmul.f32 v51, v20  }
0xa6: {  	s10 =	sand.u32 $0x300, s21;
	v26 =	vld [tilespmem:s14+$0xA900];
	s21 =	sadd.s32 $0xC800, s22;
	v19 =	vmul.f32 v52, v19;
	v9 =	vadd.f32 v21, v9;
	v21 =	vmul.f32 v39, v31  }
0xa7: {  	v27 =	vld [tilespmem:s14+$0xA980];
	s24 =	sor.u32 s10, s21;
	v18 =	vmul.f32 v53, v18;
	v8 =	vadd.f32 v20, v8;
	v20 =	vmul.f32 v40, v31  }
0xa8: {  	v30 =	vld [tilespmem:s14+$0xAB00];
	v7 =	vadd.f32 v19, v7;
	v19 =	vmul.f32 v54, v21;
	[tilespmem:s24+$0x0] =	vst v9;
	v9 =	vmul.f32 v41, v31  }
0xa9: {  	v6 =	vadd.f32 v18, v6;
	v18 =	vmul.f32 v25, v20;
	[tilespmem:s24+$0x10] =	vst v8;
	v8 =	vmul.f32 v33, v31  }
0xaa: {  	[tilespmem:s24+$0x20] =	vst v7;
	v7 =	vmul.f32 v43, v31;
	v5 =	vadd.f32 v19, v5;
	v9 =	vmul.f32 v23, v9  }
0xab: {  	[tilespmem:s24+$0x30] =	vst v6;
	v19 =	vmul.f32 v42, v31;
	v8 =	vmul.f32 v49, v8;
	v4 =	vadd.f32 v18, v4  }
0xac: {  	v6 =	vmul.f32 v44, v31;
	v7 =	vmul.f32 v24, v7;
	v9 =	vadd.f32 v9, v10;
	[tilespmem:s24+$0x40] =	vst v5  }
0xad: {  	v18 =	vmul.f32 v22, v19;
	v5 =	vmul.f32 v45, v31;
	v2 =	vadd.f32 v8, v2;
	[tilespmem:s24+$0x50] =	vst v4  }
0xae: {  	s9 =	sadd.s32 $0xCC00, s22;
	v6 =	vmul.f32 v26, v6;
	v4 =	vmul.f32 v46, v31;
	v7 =	vadd.f32 v7, v16;
	[tilespmem:s24+$0x60] =	vst v9  }
0xaf: {  	s26 =	sor.u32 s10, s9;
	v8 =	vadd.f32 v18, v15;
	v9 =	vmul.f32 v47, v31;
	v5 =	vmul.f32 v27, v5;
	[tilespmem:s24+$0x70] =	vst v2  }
0xb0: {  	v6 =	vadd.f32 v6, v14;
	v2 =	vmul.f32 v48, v31;
	v4 =	vmul.f32 v28, v4;
	[tilespmem:s26+$0x10] =	vst v7  }
0xb1: {  	[tilespmem:s26+$0x0] =	vst v8;
	v8 =	vmul.f32 v32, v31;
	v5 =	vadd.f32 v5, v12;
	v9 =	vmul.f32 v29, v9  }
0xb2: {  	v3 =	vadd.f32 v17, v3;
	[tilespmem:s26+$0x20] =	vst v6;
	v4 =	vadd.f32 v4, v13;
	v2 =	vmul.f32 v30, v2  }
0xb3: {  	v6 =	vmul.f32 v34, v8;
	v7 =	vadd.f32 v9, v11;
	[tilespmem:s26+$0x30] =	vst v5  }
0xb4: {  	v2 =	vadd.f32 v2, v3;
	[tilespmem:s26+$0x40] =	vst v4  }
0xb5: {  	s29 =	sshll.u32 s25, $0x1;
	v1 =	vadd.f32 v6, v1;
	[tilespmem:s26+$0x50] =	vst v7  }
0xb6: {  	s28 =	sadd.s32 s5, s29;
	s13 =	sadd.s32 $0xD000, s22;
	v0 =	vadd.f32 v31, v0;
	[tilespmem:s26+$0x60] =	vst v2  }
0xb7: {  	s20 =	sor.u32 s10, s13;
	s14 =	sshll.u32 s28, $0xB;
	[tilespmem:s26+$0x70] =	vst v1  }
0xb8: {  	s22 =	sadd.s32 s4, s14;
	s24 =	simm.s32 $0x0;
	[tilespmem:s20+$0x0] =	vst v0  }
0xb9: {  	[hbm4b:s22+s24] =	stream.linear.scatter [tilespmem:s24], [sflag:$0x5], $0x4000, $0x38;
	[tilespmem:$0x12800] =	vst v63  }
0xba: {  	_ =	swait.ge [sflag:s0], $0x4000  }
0xbb: {  	[sflag:s0] =	ssyncset.done $0x0  }
0xbc: {  	[sflag:s0] =	ssyncadd.s32 $0xFFFFC000  }
0xbd: {  	_ =	swait.ge [sflag:s15], $0x400  }
0xbe: {  	s26 =	sand.u32 $0x1C00, s24;
	s22 =	sand.u32 $0x70, s24;
	[sflag:s15] =	ssyncset.done $0x0  }
0xbf: {  	s20 =	sshrl.u32 s26, $0x2;
	s18 =	sor.u32 s22, s26;
	[sflag:s15] =	ssyncadd.s32 $0xFFFFFC00  }
0xc0: {  	s20 =	sor.u32 s22, s20;
	v0 =	vld [tilespmem:s18+$0x6380]  }
0xc1: {  	v2 =	vld [tilespmem:s20+$0x8080]  }
0xc2: {  	v1 =	vld [tilespmem:s18+$0x4000]  }
0xc3: {  	v3 =	vld [tilespmem:s18+$0xAB80]  }
0xc4: {  	v4 =	vld [tilespmem:s18+$0x4080]  }
0xc5: {  	v5 =	vld [tilespmem:s18+$0x4100]  }
0xc6: {  	v6 =	vld [tilespmem:s18+$0x4180]  }
0xc7: {  	v7 =	vld [tilespmem:s18+$0x4200]  }
0xc8: {  	v8 =	vld [tilespmem:s18+$0x4280]  }
0xc9: {  	v9 =	vld [tilespmem:s18+$0x4300]  }
0xca: {  	v10 =	vld [tilespmem:s18+$0x4380]  }
0xcb: {  	v11 =	vld [tilespmem:s18+$0x6000]  }
0xcc: {  	v12 =	vld [tilespmem:s18+$0x6080]  }
0xcd: {  	v13 =	vld [tilespmem:s18+$0x6100]  }
0xce: {  	v14 =	vld [tilespmem:s18+$0x6180]  }
0xcf: {  	v15 =	vld [tilespmem:s18+$0x6200]  }
0xd0: {  	v16 =	vld [tilespmem:s18+$0x6280]  }
0xd1: {  	v17 =	vld [tilespmem:s18+$0x6300]  }
0xd2: {  	v23 =	vld [tilespmem:s18+$0x8800];
	v0 =	vmul.f32 v0, v2  }
0xd3: {  	v24 =	vld [tilespmem:s18+$0x8880];
	v1 =	vmul.f32 v1, v2;
	v4 =	vmul.f32 v4, v2  }
0xd4: {  	v25 =	vld [tilespmem:s18+$0x8900];
	v5 =	vmul.f32 v5, v2;
	v6 =	vmul.f32 v6, v2  }
0xd5: {  	v29 =	vld [tilespmem:s18+$0x8A00];
	v7 =	vmul.f32 v7, v2;
	v26 =	vmul.f32 v8, v2  }
0xd6: {  	v27 =	vmul.f32 v9, v2;
	v8 =	vld [tilespmem:s18+$0x8980];
	v28 =	vmul.f32 v10, v2  }
0xd7: {  	v11 =	vmul.f32 v11, v2;
	v22 =	vmul.f32 v12, v2;
	v12 =	vld [tilespmem:s18+$0x8A80]  }
0xd8: {  	v21 =	vmul.f32 v13, v2;
	v20 =	vmul.f32 v14, v2;
	v14 =	vld [tilespmem:s18+$0x8B80]  }
0xd9: {  	v10 =	vimm.f32 $0.0e+00;
	v19 =	vmul.f32 v15, v2;
	v18 =	vmul.f32 v16, v2;
	v15 =	vld [tilespmem:s18+$0xA800]  }
0xda: {  	v17 =	vmul.f32 v17, v2;
	v16 =	vimm.f32 $0.0e+00;
	v3 =	vmul.f32 v3, v0  }
0xdb: {  	v13 =	vld [tilespmem:s18+$0x8B00];
	v0 =	vadd.f32 v2, v10;
	v9 =	vmul.f32 v23, v1;
	v2 =	vmul.f32 v24, v4  }
0xdc: {  	v1 =	vadd.f32 v3, v10;
	v3 =	vmul.f32 v25, v5;
	v4 =	vmul.f32 v8, v6  }
0xdd: {  	v8 =	vadd.f32 v2, v10;
	v2 =	vmul.f32 v29, v7;
	v12 =	vmul.f32 v12, v26  }
0xde: {  	v9 =	vadd.f32 v9, v10;
	v25 =	vld [tilespmem:s18+$0xA880];
	v28 =	vmul.f32 v14, v28;
	v29 =	vmul.f32 v15, v11  }
0xdf: {  	v23 =	vld [tilespmem:s18+$0xA900];
	v15 =	vimm.f32 $0.0e+00;
	v14 =	vimm.f32 $0.0e+00;
	v11 =	vimm.f32 $0.0e+00  }
0xe0: {  	v24 =	vld [tilespmem:s18+$0xA980];
	v7 =	vadd.f32 v3, v10;
	v3 =	vmul.f32 v13, v27;
	v6 =	vadd.f32 v4, v10  }
0xe1: {  	s29 =	simm.s32 $0x80;
	s20 =	simm.s32 $0x10;
	v26 =	vld [tilespmem:s18+$0xAA00];
	v13 =	vimm.f32 $0.0e+00;
	v5 =	vadd.f32 v2, v10;
	v4 =	vadd.f32 v12, v10  }
0xe2: {  	s26 =	sand.u32 $0x1C00, s29;
	s22 =	simm.s32 $0x100;
	s24 =	sand.u32 $0x70, s20;
	v27 =	vld [tilespmem:s18+$0xAA80];
	v12 =	vimm.f32 $0.0e+00;
	v2 =	vimm.f32 $0.0e+00;
	v3 =	vadd.f32 v3, v10  }
.LBB2_5:
0xe3: {  	p0 =	sne.s32 s22, $0x1F80;
	s29 =	sshrl.u32 s26, $0x2;
	v10 =	vadd.f32 v28, v10;
	v22 =	vmul.f32 v25, v22;
	v25 =	vld [tilespmem:s18+$0xAB00];
	s18 =	sor.u32 s24, s26  }
0xe4: {  	s24 =	sor.u32 s24, s29;
	v28 =	vld [tilespmem:s18+$0x6380];
	v15 =	vadd.f32 v29, v15;
	v21 =	vmul.f32 v23, v21  }
0xe5: {  	v23 =	vld [tilespmem:s24+$0x8080];
	v16 =	vadd.f32 v22, v16;
	v20 =	vmul.f32 v24, v20  }
0xe6: {  	v22 =	vld [tilespmem:s18+$0x4000];
	v14 =	vadd.f32 v21, v14;
	v19 =	vmul.f32 v26, v19  }
0xe7: {  	v21 =	vld [tilespmem:s18+$0xAB80];
	v12 =	vadd.f32 v20, v12;
	v18 =	vmul.f32 v27, v18  }
0xe8: {  	v20 =	vld [tilespmem:s18+$0x4080];
	v13 =	vadd.f32 v19, v13;
	v17 =	vmul.f32 v25, v17  }
0xe9: {  	v19 =	vld [tilespmem:s18+$0x4100];
	v11 =	vadd.f32 v18, v11  }
0xea: {  	v0 =	vadd.f32 v23, v0;
	v18 =	vld [tilespmem:s18+$0x4180];
	v24 =	vmul.f32 v28, v23;
	v2 =	vadd.f32 v17, v2  }
0xeb: {  	v25 =	vmul.f32 v22, v23;
	v17 =	vld [tilespmem:s18+$0x4200]  }
0xec: {  	v22 =	vld [tilespmem:s18+$0x4280];
	v21 =	vmul.f32 v21, v24  }
0xed: {  	v24 =	vmul.f32 v20, v23;
	v20 =	vld [tilespmem:s18+$0x4300]  }
0xee: {  	v26 =	vmul.f32 v19, v23;
	v19 =	vld [tilespmem:s18+$0x4380];
	v1 =	vadd.f32 v21, v1  }
0xef: {  	v27 =	vmul.f32 v18, v23;
	v18 =	vld [tilespmem:s18+$0x6000]  }
0xf0: {  	v28 =	vmul.f32 v17, v23;
	v17 =	vld [tilespmem:s18+$0x6080]  }
0xf1: {  	v29 =	vmul.f32 v22, v23;
	v21 =	vld [tilespmem:s18+$0x6100]  }
0xf2: {  	v30 =	vmul.f32 v20, v23;
	v20 =	vld [tilespmem:s18+$0x6180]  }
0xf3: {  	v31 =	vmul.f32 v19, v23;
	v19 =	vld [tilespmem:s18+$0x6200]  }
0xf4: {  	v32 =	vmul.f32 v18, v23;
	v18 =	vld [tilespmem:s18+$0x6280]  }
0xf5: {  	v22 =	vmul.f32 v17, v23;
	v17 =	vld [tilespmem:s18+$0x6300]  }
0xf6: {  	v33 =	vld [tilespmem:s18+$0x8800];
	v21 =	vmul.f32 v21, v23  }
0xf7: {  	v34 =	vld [tilespmem:s18+$0x8880];
	v20 =	vmul.f32 v20, v23  }
0xf8: {  	v35 =	vld [tilespmem:s18+$0x8900];
	v19 =	vmul.f32 v19, v23  }
0xf9: {  	v36 =	vld [tilespmem:s18+$0x8980];
	v18 =	vmul.f32 v18, v23  }
0xfa: {  	v37 =	vld [tilespmem:s18+$0x8A00];
	v17 =	vmul.f32 v17, v23  }
0xfb: {  	v23 =	vmul.f32 v33, v25;
	v33 =	vld [tilespmem:s18+$0x8A80]  }
0xfc: {  	v24 =	vmul.f32 v34, v24;
	v34 =	vld [tilespmem:s18+$0x8B00]  }
0xfd: {  	v9 =	vadd.f32 v23, v9;
	v23 =	vmul.f32 v35, v26;
	v26 =	vld [tilespmem:s18+$0x8B80]  }
0xfe: {  	v8 =	vadd.f32 v24, v8;
	v24 =	vmul.f32 v36, v27;
	v27 =	vld [tilespmem:s18+$0xA800]  }
.Ltmp1:
0xff: {  	v7 =	vadd.f32 v23, v7;
	v28 =	vmul.f32 v37, v28;
	v25 =	vld [tilespmem:s18+$0xA880];
	(pc) =	sbr.rel @p0 .LBB2_5-.Ltmp1, $4  }
0x100: {  	v6 =	vadd.f32 v24, v6;
	v29 =	vmul.f32 v33, v29;
	v23 =	vld [tilespmem:s18+$0xA900]  }
0x101: {  	v5 =	vadd.f32 v28, v5;
	v30 =	vmul.f32 v34, v30;
	v24 =	vld [tilespmem:s18+$0xA980]  }
0x102: {  	s20 =	sadd.s32 $0x10, s20;
	v4 =	vadd.f32 v29, v4;
	v28 =	vmul.f32 v26, v31;
	v26 =	vld [tilespmem:s18+$0xAA00]  }
0x103: {  	s26 =	sand.u32 $0x1C00, s22;
	s22 =	sadd.s32 $0x80, s22;
	s24 =	sand.u32 $0x70, s20;
	v3 =	vadd.f32 v30, v3;
	v29 =	vmul.f32 v27, v32;
	v27 =	vld [tilespmem:s18+$0xAA80]  }
0x104: {  	s22 =	sor.u32 s24, s26;
	v30 =	vld [tilespmem:s18+$0xAB00]  }
0x105: {  	v31 =	vld [tilespmem:s22+$0x6380]  }
0x106: {  	v33 =	vld [tilespmem:s22+$0x4000]  }
0x107: {  	v34 =	vld [tilespmem:s22+$0xAB80]  }
0x108: {  	v35 =	vld [tilespmem:s22+$0x4080]  }
0x109: {  	v36 =	vld [tilespmem:s22+$0x4100]  }
0x10a: {  	v37 =	vld [tilespmem:s22+$0x4180]  }
0x10b: {  	v38 =	vld [tilespmem:s22+$0x4200]  }
0x10c: {  	v39 =	vld [tilespmem:s22+$0x4280]  }
0x10d: {  	v40 =	vld [tilespmem:s22+$0x4300]  }
0x10e: {  	v41 =	vld [tilespmem:s22+$0x4380]  }
0x10f: {  	v42 =	vld [tilespmem:s22+$0x6000]  }
0x110: {  	v43 =	vld [tilespmem:s22+$0x6080]  }
0x111: {  	v44 =	vld [tilespmem:s22+$0x6100]  }
0x112: {  	v45 =	vld [tilespmem:s22+$0x6180]  }
0x113: {  	v46 =	vld [tilespmem:s22+$0x6200]  }
0x114: {  	v47 =	vld [tilespmem:s22+$0x6280]  }
0x115: {  	v48 =	vld [tilespmem:s22+$0x6300]  }
0x116: {  	v49 =	vld [tilespmem:s22+$0x8800]  }
0x117: {  	v50 =	vld [tilespmem:s22+$0x8880]  }
0x118: {  	s20 =	sshrl.u32 s26, $0x2;
	v51 =	vld [tilespmem:s22+$0x8900]  }
0x119: {  	s20 =	sor.u32 s24, s20;
	v52 =	vld [tilespmem:s22+$0x8980]  }
0x11a: {  	v32 =	vld [tilespmem:s20+$0x8080]  }
0x11b: {  	v53 =	vld [tilespmem:s22+$0x8A00]  }
0x11c: {  	v22 =	vmul.f32 v25, v22;
	v10 =	vadd.f32 v28, v10;
	v54 =	vld [tilespmem:s22+$0x8A80]  }
0x11d: {  	v55 =	vld [tilespmem:s22+$0x8B00];
	v15 =	vadd.f32 v29, v15;
	v21 =	vmul.f32 v23, v21;
	v20 =	vmul.f32 v24, v20  }
0x11e: {  	v56 =	vld [tilespmem:s22+$0x8B80];
	v16 =	vadd.f32 v22, v16;
	v19 =	vmul.f32 v26, v19;
	v18 =	vmul.f32 v27, v18  }
0x11f: {  	v57 =	vld [tilespmem:s22+$0xA800];
	v14 =	vadd.f32 v21, v14;
	v17 =	vmul.f32 v30, v17;
	v58 =	vmul.f32 v33, v32  }
0x120: {  	v59 =	vld [tilespmem:s22+$0xA880];
	v12 =	vadd.f32 v20, v12;
	v60 =	vmul.f32 v35, v32;
	v62 =	vmul.f32 v36, v32  }
0x121: {  	v61 =	vld [tilespmem:s22+$0xA900];
	v13 =	vadd.f32 v19, v13;
	v33 =	vmul.f32 v37, v32;
	v21 =	vmul.f32 v49, v58  }
0x122: {  	v63 =	vld [tilespmem:s22+$0xA980];
	v11 =	vadd.f32 v18, v11;
	v36 =	vmul.f32 v38, v32;
	v20 =	vmul.f32 v50, v60  }
0x123: {  	s10 =	sor.u32 $0x80, s10;
	v35 =	vld [tilespmem:s22+$0xAA00];
	v38 =	vmul.f32 v39, v32;
	v19 =	vmul.f32 v51, v62;
	v9 =	vadd.f32 v21, v9  }
0x124: {  	s24 =	sadd.s32 s10, s21;
	v37 =	vld [tilespmem:s22+$0xAA80];
	v2 =	vadd.f32 v17, v2;
	v18 =	vmul.f32 v52, v33;
	v8 =	vadd.f32 v20, v8  }
0x125: {  	v39 =	vld [tilespmem:s22+$0xAB00];
	v49 =	vmul.f32 v53, v36;
	v50 =	vmul.f32 v40, v32;
	v7 =	vadd.f32 v19, v7;
	[tilespmem:s24+$0x0] =	vst v9  }
0x126: {  	v51 =	vmul.f32 v54, v38;
	v52 =	vmul.f32 v41, v32;
	v6 =	vadd.f32 v18, v6;
	[tilespmem:s24+$0x10] =	vst v8  }
0x127: {  	v53 =	vmul.f32 v42, v32;
	v5 =	vadd.f32 v49, v5;
	v9 =	vmul.f32 v55, v50;
	[tilespmem:s24+$0x20] =	vst v7  }
0x128: {  	v54 =	vmul.f32 v43, v32;
	v4 =	vadd.f32 v51, v4;
	v8 =	vmul.f32 v56, v52;
	[tilespmem:s24+$0x30] =	vst v6  }
0x129: {  	v58 =	vmul.f32 v46, v32;
	v56 =	vmul.f32 v57, v53;
	[tilespmem:s24+$0x40] =	vst v5;
	v3 =	vadd.f32 v9, v3  }
0x12a: {  	v60 =	vmul.f32 v48, v32;
	v7 =	vmul.f32 v59, v54;
	[tilespmem:s24+$0x50] =	vst v4;
	v8 =	vadd.f32 v8, v10  }
0x12b: {  	v55 =	vmul.f32 v44, v32;
	v4 =	vmul.f32 v35, v58;
	v9 =	vadd.f32 v56, v15;
	[tilespmem:s24+$0x60] =	vst v3  }
0x12c: {  	s9 =	sadd.s32 s10, s9;
	v62 =	vmul.f32 v39, v60;
	v57 =	vmul.f32 v45, v32;
	v7 =	vadd.f32 v7, v16;
	[tilespmem:s24+$0x70] =	vst v8  }
0x12d: {  	v59 =	vmul.f32 v47, v32;
	v6 =	vmul.f32 v61, v55;
	v4 =	vadd.f32 v4, v13;
	[tilespmem:s9+$0x0] =	vst v9  }
0x12e: {  	v2 =	vadd.f32 v62, v2;
	v5 =	vmul.f32 v63, v57;
	v61 =	vmul.f32 v31, v32;
	[tilespmem:s9+$0x10] =	vst v7  }
0x12f: {  	v6 =	vadd.f32 v6, v14;
	v3 =	vmul.f32 v37, v59;
	[tilespmem:s9+$0x40] =	vst v4  }
0x130: {  	v5 =	vadd.f32 v5, v12;
	v63 =	vmul.f32 v34, v61;
	[tilespmem:s9+$0x60] =	vst v2  }
0x131: {  	[tilespmem:s9+$0x20] =	vst v6;
	v3 =	vadd.f32 v3, v11  }
0x132: {  	[tilespmem:s9+$0x30] =	vst v5;
	v1 =	vadd.f32 v63, v1  }
0x133: {  	v0 =	vadd.f32 v32, v0;
	[tilespmem:s9+$0x50] =	vst v3  }
0x134: {  	p0 =	seq.s32 s25, $0x1F;
	s26 =	sadd.s32 s10, s13;
	[tilespmem:s9+$0x70] =	vst v1  }
0x135: {  	s29 =	sadd.s32 s14, s12;
	s10 =	sadd.s32 @!p0 $0x2, s28;
	s9 =	simm.s32 @!p0 $0x5;
	[tilespmem:s26+$0x0] =	vst v0  }
0x136: {  	[hbm4b:s29+s6] =	stream.linear.scatter [tilespmem:s3], [sflag:$0x6], $0x4000, $0x38;
	[tilespmem:$0x12800] =	vst v63  }
0x137: {  	s13 =	sshll.u32 @!p0 s10, $0xB;
	_ =	swait.ge @!p0 [sflag:s9], $0x4000  }
0x138: {  	s13 =	sand.u32 @!p0 $0x1FFFF000, s13;
	[sflag:s9] =	ssyncset.done @!p0 $0x0  }
0x139: {  	s13 =	sadd.s32 @!p0 s2, s13;
	[sflag:s9] =	ssyncadd.s32 @!p0 $0xFFFFC000;
	s9 =	simm.s32 @!p0 $0x0  }
0x13a: {  	[tilespmem:s9], [sflag:$0x1] =	stream.linear.gather @!p0 [hbm4b:s13+s9], $0x4000, $0x38;
	[tilespmem:$0x12800] =	vst v63  }
0x13b: {  	s13 =	sshll.u32 @!p0 s10, $0x4  }
0x13c: {  	s10 =	sshll.u32 @!p0 s10, $0x7;
	s13 =	sand.u32 @!p0 $0x60, s13  }
0x13d: {  	s10 =	sand.u32 @!p0 $0xFFFFC00, s10;
	s13 =	sadd.s32 @!p0 s1, s13  }
0x13e: {  	s10 =	sadd.s32 @!p0 s10, s13;
	s13 =	simm.s32 @!p0 $0x8000  }
0x13f: {  	[tilespmem:s13], [sflag:$0x3] =	stream.linear.gather @!p0 [hbm4b:s10+s9], $0x80, $0x38;
	[tilespmem:$0x12800] =	vst v63  }
0x140: {  	s14 =	simm.s32 @!p0 $0x8100;
	s13 =	sadd.s32 @!p0 $0x80, s10  }
0x141: {  	[tilespmem:s14], [sflag:$0x3] =	stream.linear.gather @!p0 [hbm4b:s13+s9], $0x80, $0x38;
	[tilespmem:$0x12800] =	vst v63  }
0x142: {  	s13 =	sadd.s32 @!p0 $0x100, s10;
	s14 =	simm.s32 @!p0 $0x8200  }
0x143: {  	[tilespmem:s14], [sflag:$0x3] =	stream.linear.gather @!p0 [hbm4b:s13+s9], $0x80, $0x38;
	[tilespmem:$0x12800] =	vst v63  }
0x144: {  	s13 =	sadd.s32 @!p0 $0x180, s10;
	s14 =	simm.s32 @!p0 $0x8300  }
0x145: {  	[tilespmem:s14], [sflag:$0x3] =	stream.linear.gather @!p0 [hbm4b:s13+s9], $0x80, $0x38;
	[tilespmem:$0x12800] =	vst v63  }
0x146: {  	s13 =	sadd.s32 @!p0 $0x200, s10;
	s14 =	simm.s32 @!p0 $0x8400  }
0x147: {  	[tilespmem:s14], [sflag:$0x3] =	stream.linear.gather @!p0 [hbm4b:s13+s9], $0x80, $0x38;
	[tilespmem:$0x12800] =	vst v63  }
0x148: {  	s13 =	sadd.s32 @!p0 $0x280, s10;
	s14 =	simm.s32 @!p0 $0x8500  }
0x149: {  	[tilespmem:s14], [sflag:$0x3] =	stream.linear.gather @!p0 [hbm4b:s13+s9], $0x80, $0x38;
	[tilespmem:$0x12800] =	vst v63  }
0x14a: {  	s13 =	sadd.s32 @!p0 $0x300, s10;
	s14 =	simm.s32 @!p0 $0x8600  }
0x14b: {  	[tilespmem:s14], [sflag:$0x3] =	stream.linear.gather @!p0 [hbm4b:s13+s9], $0x80, $0x38;
	[tilespmem:$0x12800] =	vst v63  }
0x14c: {  	s10 =	sadd.s32 @!p0 $0x380, s10;
	s13 =	simm.s32 @!p0 $0x8700  }
0x14d: {  	[tilespmem:s13], [sflag:$0x3] =	stream.linear.gather @!p0 [hbm4b:s10+s9], $0x80, $0x38;
	[tilespmem:$0x12800] =	vst v63  }
0x14e: {  	s10 =	simm.s32 @!p0 $0x6;
	s13 =	sadd.s32 @!p0 $0x3, s28  }
0x14f: {  	_ =	swait.ge @!p0 [sflag:s10], $0x4000;
	s14 =	sshll.u32 @!p0 s13, $0xB  }
0x150: {  	[sflag:s10] =	ssyncset.done @!p0 $0x0;
	s14 =	sand.u32 @!p0 $0x1FFFF800, s14  }
0x151: {  	[sflag:s10] =	ssyncadd.s32 @!p0 $0xFFFFC000;
	s10 =	sadd.s32 @!p0 s2, s14;
	s14 =	simm.s32 @!p0 $0x4000  }
0x152: {  	[tilespmem:s14], [sflag:$0x2] =	stream.linear.gather @!p0 [hbm4b:s10+s9], $0x4000, $0x38;
	[tilespmem:$0x12800] =	vst v63  }
0x153: {  	s10 =	sshll.u32 @!p0 s13, $0x4  }
0x154: {  	s13 =	sshll.u32 @!p0 s13, $0x7;
	s10 =	sand.u32 @!p0 $0x70, s10  }
0x155: {  	s13 =	sand.u32 @!p0 $0xFFFFC00, s13;
	s10 =	sadd.s32 @!p0 s1, s10  }
0x156: {  	s10 =	sadd.s32 @!p0 s13, s10;
	s13 =	simm.s32 @!p0 $0x8080  }
0x157: {  	[tilespmem:s13], [sflag:$0x4] =	stream.linear.gather @!p0 [hbm4b:s10+s9], $0x80, $0x38;
	[tilespmem:$0x12800] =	vst v63  }
0x158: {  	s14 =	simm.s32 @!p0 $0x8180;
	s13 =	sadd.s32 @!p0 $0x80, s10  }
0x159: {  	[tilespmem:s14], [sflag:$0x4] =	stream.linear.gather @!p0 [hbm4b:s13+s9], $0x80, $0x38;
	[tilespmem:$0x12800] =	vst v63  }
0x15a: {  	s13 =	sadd.s32 @!p0 $0x100, s10;
	s14 =	simm.s32 @!p0 $0x8280  }
0x15b: {  	[tilespmem:s14], [sflag:$0x4] =	stream.linear.gather @!p0 [hbm4b:s13+s9], $0x80, $0x38;
	[tilespmem:$0x12800] =	vst v63  }
0x15c: {  	s13 =	sadd.s32 @!p0 $0x180, s10;
	s14 =	simm.s32 @!p0 $0x8380  }
0x15d: {  	[tilespmem:s14], [sflag:$0x4] =	stream.linear.gather @!p0 [hbm4b:s13+s9], $0x80, $0x38;
	[tilespmem:$0x12800] =	vst v63  }
0x15e: {  	s13 =	sadd.s32 @!p0 $0x200, s10;
	s14 =	simm.s32 @!p0 $0x8480  }
0x15f: {  	[tilespmem:s14], [sflag:$0x4] =	stream.linear.gather @!p0 [hbm4b:s13+s9], $0x80, $0x38;
	[tilespmem:$0x12800] =	vst v63  }
0x160: {  	s13 =	sadd.s32 @!p0 $0x280, s10;
	s14 =	simm.s32 @!p0 $0x8580  }
0x161: {  	[tilespmem:s14], [sflag:$0x4] =	stream.linear.gather @!p0 [hbm4b:s13+s9], $0x80, $0x38;
	[tilespmem:$0x12800] =	vst v63  }
0x162: {  	s25 =	sadd.s32 @!p0 $0x1, s25;
	s13 =	sadd.s32 @!p0 $0x300, s10;
	s14 =	simm.s32 @!p0 $0x8680  }
0x163: {  	[tilespmem:s14], [sflag:$0x4] =	stream.linear.gather @!p0 [hbm4b:s13+s9], $0x80, $0x38;
	[tilespmem:$0x12800] =	vst v63  }
0x164: {  	p1 =	sne.s32 @!p0 s25, $0x20;
	s10 =	sadd.s32 @!p0 $0x380, s10;
	s13 =	simm.s32 @!p0 $0x8780  }
0x165: {  	[tilespmem:s13], [sflag:$0x4] =	stream.linear.gather @!p0 [hbm4b:s10+s9], $0x80, $0x38;
	[tilespmem:$0x12800] =	vst v63  }
0x166: {  	p0 =	por p0, !p1  }
.Ltmp2:
0x167: {  	_ = 	snop;
	(pc) =	sbr.rel @!p0 .LBB2_2-.Ltmp2, $1  }
0x168: {  	_ =	sdelay $0x3  }
0x169: {  	_ =	swait.ge [sflag:s17], $0x4000  }
0x16a: {  	[sflag:s17] =	ssyncset.done $0x0  }
0x16b: {  	[sflag:s17] =	ssyncadd.s32 $0xFFFFC000  }
0x16c: {  	_ =	swait.ge [sflag:s19], $0x4000  }
0x16d: {  	[sflag:s19] =	ssyncset.done $0x0  }
0x16e: {  	s10 =	simm.s32 $0xC800;
	s9 =	rddreg [dreg:$0x8];
	[sflag:s19] =	ssyncadd.s32 $0xFFFFC000  }
0x16f: {  	[hbm4b:s9+s6] =	stream.linear.scatter [tilespmem:s10], [sflag:$0x7], $0x6000, $0x38;
	[tilespmem:$0x12800] =	vst v63  }
0x170: {  	_ =	swait.ge [sflag:s16], $0x6000  }
0x171: {  	s23 =	sadd.s32 $0x1, s23;
	s29 =	rddreg [dreg:$0x9]  }
0x172: {  	p0 =	sne.s32 s23, s29  }
.Ltmp3:
0x173: {  	_ = 	snop;
	(pc) =	sbr.rel @p0 .LBB2_1-.Ltmp3, $3  }
0x174: {  	_ =	sdelay $0x1  }
0x175: {  	[sflag:s16] =	ssyncset.done $0x0  }
0x176: {  	[sflag:s16] =	ssyncadd.s32 $0xFFFFA000  }
0x177: {  	_ =	sfence.sel $0x180000  }
0x178: {  	[bflag:$0x0] =	sbarrier.arrive $0xFFFF  }
0x179: {  	_ =	strace $0x90000047  }
0x17a: {  	s0 =	stileid.u32;
	[bflag:$0x2] =	sbarrier.arrive $0xFFFF  }
0x17b: {  	p0 =	sne.s32 s0, $0x0;
	s0 =	rddreg [dreg:$0x5]  }
0x17c: {  	s0 =	sadd.s32 @!p0 $0x100000, s0  }
0x17d: {  	[sflag:s0] =	ssyncadd.tile.s32 @!p0 $0x1;
	_ =	shalt  }
.Lfunc_end2:
_tile_overlayer_lowered:
.L_overlay_start_2:
0x17e: {  	(tag) =	ssettag $0x2  }
0x17f: {  	s0 =	rddreg [dreg:$0x0];
	s2 =	stileid.u32  }
0x180: {  	s1 =	rddreg [dreg:$0x1];
	p0 =	sne.s32 s2, $0x0  }
0x181: {  	s3 =	rddreg [dreg:$0x2];
	[bflag:$0x3] =	sbarrier.arrive $0xFFFF;
	s2 =	simm.s32 @!p0 $0x1C07  }
0x182: {  	[timem:s3], [sflag:s2] =	dma.local @!p0 [hbm:s0], s1  }
0x183: {  	s0 =	simm.s32 @!p0 $0x7  }
0x184: {  	_ =	swait.ge @!p0 [sflag:s0], s1  }
0x185: {  	s1 =	ssub.s32 @!p0 $0x0, s1;
	[sflag:s0] =	ssyncset.done @!p0 $0x0  }
0x186: {  	[sflag:s0] =	ssyncadd.s32 @!p0 s1  }
0x187: {  	[bflag:$0x3] =	sbarrier.arrive $0xFFFF  }
0x188: {  	_ =	shalt  }

</sc_bundles>
